<compile_context>
chip_gen: v7x
topology: tpu7x:2x2x1
jax: 0.10.2.dev20260603
libtpu: 0.0.44.dev20260713+nightly
codegen_flags: <defaults>
</compile_context>

<pallas_src>
import functools

import jax
import jax.numpy as jnp
from jax import lax
from jax.experimental import pallas as pl
from jax.experimental.pallas import tpu as pltpu
from jax.experimental.pallas import tpu_sc as plsc

N_NODES = 10000
BN = 2000
BQ = 2000
SECH = 200
QCH = 40
NSUB = 16

_SC_MESH = plsc.VectorSubcoreMesh(core_axis_name="c", subcore_axis_name="s")
_SC_PARAMS = pltpu.CompilerParams(use_tc_tiling_on_sc=False)




def _proj1_body(x_ref, wlh_ref, wr_ref, b_ref, y_ref, r_ref):
    xb = x_ref[...]
    y_ref[...] = jnp.dot(xb, wlh_ref[...], preferred_element_type=jnp.float32)
    r_ref[...] = (jnp.dot(xb, wr_ref[...], preferred_element_type=jnp.float32)
                  + b_ref[...])


def _proj2_body(slo_ref, shi_ref, c_ref, r_ref, wlh_ref, wr_ref, b_ref,
                y_ref, r2_ref):
    cnt = jnp.maximum(c_ref[...][:, :1], 1.0)
    h = jnp.maximum(
        jnp.concatenate([slo_ref[...], shi_ref[...]], axis=1) / cnt + r_ref[...],
        0.0)
    y_ref[...] = jnp.dot(h, wlh_ref[...], preferred_element_type=jnp.float32)
    r2_ref[...] = (jnp.dot(h, wr_ref[...], preferred_element_type=jnp.float32)
                   + b_ref[...])


def _uv_body(slo_ref, shi_ref, c_ref, r_ref, wa_ref, wb_ref, b_ref,
             u_ref, v_ref):
    cnt = jnp.maximum(c_ref[...][:, :1], 1.0)
    h = (jnp.concatenate([slo_ref[...], shi_ref[...]], axis=1) / cnt
         + r_ref[...])
    u_ref[...] = (jnp.dot(h, wa_ref[...], preferred_element_type=jnp.float32)
                  + b_ref[...])
    v_ref[...] = jnp.dot(h, wb_ref[...], preferred_element_type=jnp.float32)


def _mlp_body(g1_ref, g2_ref, ea_ref, wc_ref, w2_ref, b2_ref, w3_ref, b3_ref,
              o_ref):
    z1 = jnp.maximum(
        g1_ref[...] + g2_ref[...]
        + jnp.dot(ea_ref[...], wc_ref[...], preferred_element_type=jnp.float32),
        0.0)
    z2 = jnp.maximum(
        jnp.dot(z1, w2_ref[...], preferred_element_type=jnp.float32)
        + b2_ref[...], 0.0)
    o_ref[...] = (jnp.dot(z2, w3_ref[...], preferred_element_type=jnp.float32)
                  + b3_ref[...])


def _full(shape):
    return pl.BlockSpec(shape, lambda *_: (0,) * len(shape))



def _segsum_body(with_counts, n_chunks, rows_per_tile,
                 y_hbm, src_hbm, dst_hbm, z_hbm, z16_hbm, ones_hbm,
                 s_hbm, cnt_hbm, acc, cntacc, srcb, gidxb, dstb, rowsb, onesb):
    N = N_NODES
    c = lax.axis_index("c")
    s = lax.axis_index("s")
    ebase = s * (n_chunks * SECH)
    rbase = s * rows_per_tile
    coff = c * N
    pltpu.sync_copy(z_hbm.at[pl.ds(rbase, rows_per_tile)],
                    acc.at[pl.ds(rbase, rows_per_tile)])
    if with_counts:
        @pl.when(c == 0)
        def _():
            pltpu.sync_copy(z16_hbm.at[pl.ds(rbase, rows_per_tile)],
                            cntacc.at[pl.ds(rbase, rows_per_tile)])
            pltpu.sync_copy(ones_hbm, onesb)
    plsc.subcore_barrier()

    @pl.loop(0, n_chunks)
    def _(k):
        off = ebase + k * SECH
        pltpu.sync_copy(src_hbm.at[pl.ds(off, SECH)], srcb)
        pltpu.sync_copy(dst_hbm.at[pl.ds(off, SECH)], dstb)

        @pl.loop(0, SECH - 16, step=16)
        def _(i):
            gidxb[pl.ds(i, 16)] = srcb[pl.ds(i, 16)] + coff

        gidxb[pl.ds(SECH - 16, 16)] = srcb[pl.ds(SECH - 16, 16)] + coff

        pltpu.sync_copy(y_hbm.at[gidxb], rowsb)
        pltpu.sync_copy(rowsb, acc.at[dstb], add=True)
        if with_counts:
            @pl.when(c == 0)
            def _():
                pltpu.sync_copy(onesb, cntacc.at[dstb], add=True)

    plsc.subcore_barrier()
    pltpu.sync_copy(acc.at[pl.ds(rbase, rows_per_tile)],
                    s_hbm.at[pl.ds(coff + rbase, rows_per_tile)])
    if with_counts:
        @pl.when(c == 0)
        def _():
            pltpu.sync_copy(cntacc.at[pl.ds(rbase, rows_per_tile)],
                            cnt_hbm.at[pl.ds(rbase, rows_per_tile)])


def _make_segsum(N, E, with_counts):
    n_chunks = E // NSUB // SECH
    rows_per_tile = N // NSUB
    out_type = [jax.ShapeDtypeStruct((2 * N, 128), jnp.float32)]
    scratch = [
        pltpu.VMEM_SHARED((N, 128), jnp.float32),
        pltpu.VMEM_SHARED((N, 16), jnp.float32),
        pltpu.VMEM((SECH,), jnp.int32),
        pltpu.VMEM((SECH,), jnp.int32),
        pltpu.VMEM((SECH,), jnp.int32),
        pltpu.VMEM((SECH, 128), jnp.float32),
        pltpu.VMEM((SECH, 16), jnp.float32),
    ]
    if with_counts:
        out_type = out_type + [jax.ShapeDtypeStruct((N, 16), jnp.float32)]
        body = functools.partial(_segsum_body, True, n_chunks, rows_per_tile)
    else:
        out_type = out_type[0]
        def body(y_hbm, src_hbm, dst_hbm, z_hbm, z16_hbm, ones_hbm,
                 s_hbm, *rest):
            _segsum_body(False, n_chunks, rows_per_tile,
                         y_hbm, src_hbm, dst_hbm, z_hbm, z16_hbm, ones_hbm,
                         s_hbm, None, *rest)
    return pl.kernel(body, out_type=out_type, mesh=_SC_MESH,
                     scratch_types=scratch, compiler_params=_SC_PARAMS)


QCHG = 200


def _qgather_body(n_chunks, per_w,
                  u_hbm, v_hbm, sq_hbm, tq_hbm, g1_hbm, g2_hbm,
                  sb, tb, ub, vb):
    c = lax.axis_index("c")
    s = lax.axis_index("s")
    base = (s * 2 + c) * per_w

    @pl.loop(0, n_chunks)
    def _(k):
        off = base + k * QCHG
        pltpu.sync_copy(sq_hbm.at[pl.ds(off, QCHG)], sb)
        pltpu.sync_copy(tq_hbm.at[pl.ds(off, QCHG)], tb)
        pltpu.sync_copy(u_hbm.at[sb], ub)
        pltpu.sync_copy(v_hbm.at[tb], vb)
        pltpu.sync_copy(ub, g1_hbm.at[pl.ds(off, QCHG)])
        pltpu.sync_copy(vb, g2_hbm.at[pl.ds(off, QCHG)])


def _make_qgather(N, Q, H):
    per_w = Q // (2 * NSUB)
    n_chunks = per_w // QCHG
    return pl.kernel(
        functools.partial(_qgather_body, n_chunks, per_w),
        out_type=[jax.ShapeDtypeStruct((Q, H), jnp.float32)] * 2,
        mesh=_SC_MESH,
        scratch_types=[
            pltpu.VMEM((QCHG,), jnp.int32),
            pltpu.VMEM((QCHG,), jnp.int32),
            pltpu.VMEM((QCHG, H), jnp.float32),
            pltpu.VMEM((QCHG, H), jnp.float32),
        ])



def kernel(x, edge_index, edge_attr, query_edge_indices,
           W_l1, b_l1, W_r1, W_l2, b_l2, W_r2,
           W1, b1, W2, b2, W3, b3):
    N, D = x.shape
    H = W_l1.shape[1]
    Q, DE = edge_attr.shape
    E = edge_index.shape[1]
    src = edge_index[0].astype(jnp.int32)
    dst = edge_index[1].astype(jnp.int32)
    srcq = query_edge_indices[0].astype(jnp.int32)
    tgtq = query_edge_indices[1].astype(jnp.int32)

    W1a = W1[:H]
    W1b = W1[H:2 * H]
    W1c = W1[2 * H:]

    zeros2N = jnp.zeros((2 * N, 128), jnp.float32)
    zerosN16 = jnp.zeros((N, 16), jnp.float32)
    ones_rows = jnp.ones((SECH, 16), jnp.float32)

    nb = N // BN
    grid2 = (nb, 2)

    def rows2(ncols):
        return pl.BlockSpec((BN, ncols), lambda i, j: (i, 0))

    y1, r1 = pl.pallas_call(
        _proj1_body,
        grid=grid2,
        in_specs=[rows2(D),
                  pl.BlockSpec((D, 128), lambda i, j: (0, j)),
                  _full((D, H)), _full((1, H))],
        out_specs=[pl.BlockSpec((BN, 128), lambda i, j: (j * nb + i, 0)),
                   rows2(H)],
        out_shape=[jax.ShapeDtypeStruct((2 * N, 128), jnp.float32),
                   jax.ShapeDtypeStruct((N, H), jnp.float32)],
    )(x, W_l1, W_r1, b_l1.reshape(1, H))

    s1, cnt = _make_segsum(N, E, True)(y1, src, dst, zeros2N, zerosN16,
                                       ones_rows)

    y2, r2 = pl.pallas_call(
        _proj2_body,
        grid=grid2,
        in_specs=[pl.BlockSpec((BN, 128), lambda i, j: (i, 0)),
                  pl.BlockSpec((BN, 128), lambda i, j: (nb + i, 0)),
                  rows2(16), rows2(H),
                  pl.BlockSpec((H, 128), lambda i, j: (0, j)),
                  _full((H, H)), _full((1, H))],
        out_specs=[pl.BlockSpec((BN, 128), lambda i, j: (j * nb + i, 0)),
                   rows2(H)],
        out_shape=[jax.ShapeDtypeStruct((2 * N, 128), jnp.float32),
                   jax.ShapeDtypeStruct((N, H), jnp.float32)],
    )(s1, s1, cnt, r1, W_l2, W_r2, b_l2.reshape(1, H))

    s2 = _make_segsum(N, E, False)(y2, src, dst, zeros2N, zerosN16, ones_rows)

    def rows1(ncols):
        return pl.BlockSpec((BN, ncols), lambda i: (i, 0))

    U, V = pl.pallas_call(
        _uv_body,
        grid=(nb,),
        in_specs=[pl.BlockSpec((BN, 128), lambda i: (i, 0)),
                  pl.BlockSpec((BN, 128), lambda i: (nb + i, 0)),
                  rows1(16), rows1(H),
                  _full((H, H)), _full((H, H)), _full((1, H))],
        out_specs=[rows1(H), rows1(H)],
        out_shape=[jax.ShapeDtypeStruct((N, H), jnp.float32)] * 2,
    )(s2, s2, cnt, r2, W1a, W1b, b1.reshape(1, H))

    g1, g2 = _make_qgather(N, Q, H)(U, V, srcq, tgtq)

    H2 = W2.shape[1]
    out = pl.pallas_call(
        _mlp_body,
        grid=(Q // BQ,),
        in_specs=[pl.BlockSpec((BQ, H), lambda i: (i, 0)),
                  pl.BlockSpec((BQ, H), lambda i: (i, 0)),
                  pl.BlockSpec((BQ, DE), lambda i: (i, 0)),
                  _full((DE, H)), _full((H, H2)), _full((1, H2)),
                  _full((H2, 1)), _full((1, 1))],
        out_specs=pl.BlockSpec((BQ, 1), lambda i: (i, 0)),
        out_shape=jax.ShapeDtypeStruct((Q, 1), jnp.float32),
    )(g1, g2, edge_attr, W1c, W2, b2.reshape(1, H2),
      W3, b3.reshape(1, 1))
    return out

# --- scband reference (transcript-rebuilt; emitter-appended) ---
"""Pipeline reference for scband-supply-chain-sage-27754078667307 (READ-ONLY COPY).

The authoritative reference and input builder live on the scoring server;
editing this copy changes nothing except your own understanding.
"""

import jax, jax.numpy as jnp
import numpy as np

N_NODES = 10000

def _sage_conv(x, edge_index, W_l, b_l, W_r):
    # PyG SAGEConv with mean aggregation: out = lin_l(mean_j x_j) + lin_r(x)
    src = edge_index[0]
    dst = edge_index[1]
    msg = x[src]
    s = jax.ops.segment_sum(msg, dst, num_segments=N_NODES)
    cnt = jax.ops.segment_sum(jnp.ones((edge_index.shape[1],), x.dtype), dst, num_segments=N_NODES)
    mean = s / jnp.clip(cnt, 1.0)[:, None]
    return mean @ W_l + b_l + x @ W_r

def setup_inputs(seed: int = 0) -> dict:
    key = jax.random.key(seed)
    ks = jax.random.split(key, 16)
    N, E, D, H, DE, Q = 10000, 160000, 256, 256, 16, 160000
    x = jax.random.normal(ks[0], (N, D), dtype=jnp.float32)
    edge_index = jax.random.randint(ks[1], (2, E), 0, N, dtype=jnp.int64)
    edge_attr = jax.random.normal(ks[2], (Q, DE), dtype=jnp.float32)
    query_edge_indices = jax.random.randint(ks[3], (2, Q), 0, N, dtype=jnp.int64)
    # conv1 params
    W_l1 = jax.random.normal(ks[4], (D, H), dtype=jnp.float32) * (1.0 / np.sqrt(D))
    b_l1 = jnp.zeros((H,), dtype=jnp.float32)
    W_r1 = jax.random.normal(ks[5], (D, H), dtype=jnp.float32) * (1.0 / np.sqrt(D))
    # conv2 params
    W_l2 = jax.random.normal(ks[6], (H, H), dtype=jnp.float32) * (1.0 / np.sqrt(H))
    b_l2 = jnp.zeros((H,), dtype=jnp.float32)
    W_r2 = jax.random.normal(ks[7], (H, H), dtype=jnp.float32) * (1.0 / np.sqrt(H))
    # edge predictor params: concat_dim = 2*H + DE
    C = 2 * H + DE
    W1 = jax.random.normal(ks[8], (C, H), dtype=jnp.float32) * (1.0 / np.sqrt(C))
    b1 = jnp.zeros((H,), dtype=jnp.float32)
    W2 = jax.random.normal(ks[9], (H, H // 2), dtype=jnp.float32) * (1.0 / np.sqrt(H))
    b2 = jnp.zeros((H // 2,), dtype=jnp.float32)
    W3 = jax.random.normal(ks[10], (H // 2, 1), dtype=jnp.float32) * (1.0 / np.sqrt(H // 2))
    b3 = jnp.zeros((1,), dtype=jnp.float32)
    return {"x": x, "edge_index": edge_index, "edge_attr": edge_attr,
            "query_edge_indices": query_edge_indices,
            "W_l1": W_l1, "b_l1": b_l1, "W_r1": W_r1,
            "W_l2": W_l2, "b_l2": b_l2, "W_r2": W_r2,
            "W1": W1, "b1": b1, "W2": W2, "b2": b2, "W3": W3, "b3": b3}

def reference(x, edge_index, edge_attr, query_edge_indices,
              W_l1, b_l1, W_r1, W_l2, b_l2, W_r2,
              W1, b1, W2, b2, W3, b3):
    h = _sage_conv(x, edge_index, W_l1, b_l1, W_r1)
    h = jax.nn.relu(h)
    h = _sage_conv(h, edge_index, W_l2, b_l2, W_r2)
    src_nodes = query_edge_indices[0]
    tgt_nodes = query_edge_indices[1]
    h_src = h[src_nodes]
    h_tgt = h[tgt_nodes]
    edge_inputs = jnp.concatenate([h_src, h_tgt, edge_attr], axis=1)
    z = jax.nn.relu(edge_inputs @ W1 + b1)
    z = jax.nn.relu(z @ W2 + b2)
    return z @ W3 + b3

if __name__ == "__main__":
    import jax
    _d = setup_inputs()
    print(jax.jit(kernel)(*tuple(_d.values())))

</pallas_src>

<mosaic_0001>
#map = affine_map<(d0, d1) -> (0, 0)>
#map1 = affine_map<(d0, d1) -> (0)>
module attributes {stable_mosaic.version = 14 : i64} {
  func.func @body(%arg0: i32, %arg1: i32, %arg2: memref<20000x128xf32, #tpu.memory_space<hbm>>, %arg3: memref<160000xi32, #tpu.memory_space<hbm>>, %arg4: memref<160000xi32, #tpu.memory_space<hbm>>, %arg5: memref<20000x128xf32, #tpu.memory_space<hbm>>, %arg6: memref<10000x16xf32, #tpu.memory_space<hbm>>, %arg7: memref<200x16xf32, #tpu.memory_space<hbm>>, %arg8: memref<20000x128xf32, #tpu.memory_space<hbm>>, %arg9: memref<10000x128xf32, #tpu.memory_space<vmem_shared>>, %arg10: memref<10000x16xf32, #tpu.memory_space<vmem_shared>>, %arg11: memref<200xi32, #tpu.memory_space<vmem>>, %arg12: memref<200xi32, #tpu.memory_space<vmem>>, %arg13: memref<200xi32, #tpu.memory_space<vmem>>, %arg14: memref<200x128xf32, #tpu.memory_space<vmem>>, %arg15: memref<200x16xf32, #tpu.memory_space<vmem>>) attributes {dimension_semantics = [#tpu.dimension_semantics<core_parallel>, #tpu.dimension_semantics<subcore_parallel>], iteration_bounds = array<i64: 2, 16>, scalar_prefetch = 0 : i64, scratch_operands = 7 : i64, tpu.core_type = #tpu.core_type<sc_vector_subcore>, window_params = [{transform_indices = #map}, {transform_indices = #map1}, {transform_indices = #map1}, {transform_indices = #map}, {transform_indices = #map}, {transform_indices = #map}, {transform_indices = #map}]} {
    %mul3A = arith.constant 10000 : i32
    %mul3A_0 = arith.muli %arg1, %mul3A : i32
    %mul3A_1 = arith.constant 625 : i32
    %mul3A_2 = arith.muli %arg1, %mul3A_1 : i32
    %mul3A_3 = arith.constant 10000 : i32
    %mul3A_4 = arith.muli %arg0, %mul3A_3 : i32
    "tpu.region"() ({
      %run_scoped3A = tpu.sem_alloc : memref<!tpu.dma_semaphore, #tpu.memory_space<semaphore_mem>>
      %dma_start3A = arith.constant 0 : i32
      %dma_start3A_10 = tpu.memref_slice %arg9[%mul3A_2, %dma_start3A] : memref<10000x128xf32, #tpu.memory_space<vmem_shared>> -> memref<625x128xf32, #tpu.memory_space<vmem_shared>>
      %dma_start3A_11 = arith.constant 0 : i32
      %dma_start3A_12 = tpu.memref_slice %arg5[%mul3A_2, %dma_start3A_11] : memref<20000x128xf32, #tpu.memory_space<hbm>> -> memref<625x128xf32, #tpu.memory_space<hbm>>
      tpu.enqueue_dma source(%dma_start3A_12 : memref<625x128xf32, #tpu.memory_space<hbm>>) target(%dma_start3A_10 : memref<625x128xf32, #tpu.memory_space<vmem_shared>>) target_semaphore(%run_scoped3A : memref<!tpu.dma_semaphore, #tpu.memory_space<semaphore_mem>>)
      %dma_wait3A = arith.constant 0 : i32
      %dma_wait3A_13 = tpu.memref_slice %arg9[%mul3A_2, %dma_wait3A] : memref<10000x128xf32, #tpu.memory_space<vmem_shared>> -> memref<625x128xf32, #tpu.memory_space<vmem_shared>>
      %dma_wait3A_14 = arith.constant 0 : i32
      %dma_wait3A_15 = tpu.memref_slice %arg5[%mul3A_2, %dma_wait3A_14] : memref<20000x128xf32, #tpu.memory_space<hbm>> -> memref<625x128xf32, #tpu.memory_space<hbm>>
      tpu.wait_dma2 semaphore(%run_scoped3A : memref<!tpu.dma_semaphore, #tpu.memory_space<semaphore_mem>>) src(%dma_wait3A_15 : memref<625x128xf32, #tpu.memory_space<hbm>>) dst(%dma_wait3A_13 : memref<625x128xf32, #tpu.memory_space<vmem_shared>>)
      tpu.yield
    }) : () -> ()
    %barrier3A = arith.constant 0 : index
    tpu.barrier barrier_id(%barrier3A)
    %scan3A = arith.constant 0 : i32
    %scan3A_5 = arith.constant 50 : i32
    %scan3A_6 = arith.addi %scan3A, %scan3A_5 : i32
    %scan3A_7 = arith.constant 1 : i32
    scf.for %scan3A_10 = %scan3A to %scan3A_6 step %scan3A_7  : i32 {
      %mul3A_11 = arith.constant 1 : i32
      %mul3A_12 = arith.muli %scan3A_10, %mul3A_11 : i32
      %add3A_13 = arith.constant 0 : i32
      %add3A_14 = arith.addi %add3A_13, %mul3A_12 : i32
      %mul3A_15 = arith.constant 200 : i32
      %mul3A_16 = arith.muli %add3A_14, %mul3A_15 : i32
      %add3A_17 = arith.addi %mul3A_0, %mul3A_16 : i32
      "tpu.region"() ({
        %run_scoped3A = tpu.sem_alloc : memref<!tpu.dma_semaphore, #tpu.memory_space<semaphore_mem>>
        %dma_start3A = tpu.memref_slice %arg3[%add3A_17] : memref<160000xi32, #tpu.memory_space<hbm>> -> memref<200xi32, #tpu.memory_space<hbm>>
        %dma_start3A_30 = tpu.memref_slice %arg3[%add3A_17] : memref<160000xi32, #tpu.memory_space<hbm>> -> memref<200xi32, #tpu.memory_space<hbm>>
        tpu.enqueue_dma source(%dma_start3A_30 : memref<200xi32, #tpu.memory_space<hbm>>) target(%arg11 : memref<200xi32, #tpu.memory_space<vmem>>) target_semaphore(%run_scoped3A : memref<!tpu.dma_semaphore, #tpu.memory_space<semaphore_mem>>)
        %dma_wait3A = tpu.memref_slice %arg3[%add3A_17] : memref<160000xi32, #tpu.memory_space<hbm>> -> memref<200xi32, #tpu.memory_space<hbm>>
        %dma_wait3A_31 = tpu.memref_slice %arg3[%add3A_17] : memref<160000xi32, #tpu.memory_space<hbm>> -> memref<200xi32, #tpu.memory_space<hbm>>
        tpu.wait_dma2 semaphore(%run_scoped3A : memref<!tpu.dma_semaphore, #tpu.memory_space<semaphore_mem>>) src(%dma_wait3A_31 : memref<200xi32, #tpu.memory_space<hbm>>) dst(%arg11 : memref<200xi32, #tpu.memory_space<vmem>>)
        tpu.yield
      }) : () -> ()
      "tpu.region"() ({
        %run_scoped3A = tpu.sem_alloc : memref<!tpu.dma_semaphore, #tpu.memory_space<semaphore_mem>>
        %dma_start3A = tpu.memref_slice %arg4[%add3A_17] : memref<160000xi32, #tpu.memory_space<hbm>> -> memref<200xi32, #tpu.memory_space<hbm>>
        %dma_start3A_30 = tpu.memref_slice %arg4[%add3A_17] : memref<160000xi32, #tpu.memory_space<hbm>> -> memref<200xi32, #tpu.memory_space<hbm>>
        tpu.enqueue_dma source(%dma_start3A_30 : memref<200xi32, #tpu.memory_space<hbm>>) target(%arg13 : memref<200xi32, #tpu.memory_space<vmem>>) target_semaphore(%run_scoped3A : memref<!tpu.dma_semaphore, #tpu.memory_space<semaphore_mem>>)
        %dma_wait3A = tpu.memref_slice %arg4[%add3A_17] : memref<160000xi32, #tpu.memory_space<hbm>> -> memref<200xi32, #tpu.memory_space<hbm>>
        %dma_wait3A_31 = tpu.memref_slice %arg4[%add3A_17] : memref<160000xi32, #tpu.memory_space<hbm>> -> memref<200xi32, #tpu.memory_space<hbm>>
        tpu.wait_dma2 semaphore(%run_scoped3A : memref<!tpu.dma_semaphore, #tpu.memory_space<semaphore_mem>>) src(%dma_wait3A_31 : memref<200xi32, #tpu.memory_space<hbm>>) dst(%arg13 : memref<200xi32, #tpu.memory_space<vmem>>)
        tpu.yield
      }) : () -> ()
      %scan3A_18 = arith.constant 0 : i32
      %scan3A_19 = arith.constant 12 : i32
      %scan3A_20 = arith.addi %scan3A_18, %scan3A_19 : i32
      %scan3A_21 = arith.constant 1 : i32
      scf.for %scan3A_30 = %scan3A_18 to %scan3A_20 step %scan3A_21  : i32 {
        %mul3A_31 = arith.constant 16 : i32
        %mul3A_32 = arith.muli %scan3A_30, %mul3A_31 : i32
        %add3A_33 = arith.constant 0 : i32
        %add3A_34 = arith.addi %add3A_33, %mul3A_32 : i32
        %get3A_35 = arith.index_cast %add3A_34 : i32 to index
        %get3A_36 = tpu.vector_load %arg11[%get3A_35] {strides = array<i32>} : memref<200xi32, #tpu.memory_space<vmem>>, vector<16xi32>,
        %get3A_37 = vector.shape_cast %get3A_36 : vector<16xi32> to vector<16xi32>
        %add3A_38 = vector.broadcast %mul3A_4 : i32 to vector<16xi32>
        %add3A_39 = arith.addi %get3A_37, %add3A_38 : vector<16xi32>
        %swap3A_40 = arith.index_cast %add3A_34 : i32 to index
        %swap3A_41 = tpu.vector_load %arg12[%swap3A_40] {strides = array<i32>} : memref<200xi32, #tpu.memory_space<vmem>>, vector<16xi32>,
        %swap3A_42 = vector.shape_cast %swap3A_41 : vector<16xi32> to vector<16xi32>
        %swap3A_43 = vector.shape_cast %add3A_39 : vector<16xi32> to vector<16xi32>
        tpu.vector_store %arg12[%swap3A_40], %swap3A_43 {strides = array<i32>} : memref<200xi32, #tpu.memory_space<vmem>>, vector<16xi32>,
      }
      %scan3A_22 = arith.constant 12 : i32
      %get3A = arith.constant 184 : index
      %get3A_23 = tpu.vector_load %arg11[%get3A] {strides = array<i32>} : memref<200xi32, #tpu.memory_space<vmem>>, vector<16xi32>,
      %get3A_24 = vector.shape_cast %get3A_23 : vector<16xi32> to vector<16xi32>
      %add3A_25 = vector.broadcast %mul3A_4 : i32 to vector<16xi32>
      %add3A_26 = arith.addi %get3A_24, %add3A_25 : vector<16xi32>
      %swap3A = arith.constant 184 : index
      %swap3A_27 = tpu.vector_load %arg12[%swap3A] {strides = array<i32>} : memref<200xi32, #tpu.memory_space<vmem>>, vector<16xi32>,
      %swap3A_28 = vector.shape_cast %swap3A_27 : vector<16xi32> to vector<16xi32>
      %swap3A_29 = vector.shape_cast %add3A_26 : vector<16xi32> to vector<16xi32>
      tpu.vector_store %arg12[%swap3A], %swap3A_29 {strides = array<i32>} : memref<200xi32, #tpu.memory_space<vmem>>, vector<16xi32>,
      "tpu.region"() ({
        %run_scoped3A = tpu.sem_alloc : memref<!tpu.dma_semaphore, #tpu.memory_space<semaphore_mem>>
        %dma_start3A = arith.constant 0 : i32
        %dma_start3A_30 = arith.constant 0 : i32
        %dma_start3A_31 = tpu.memref_slice %arg2[%dma_start3A, %dma_start3A_30] : memref<20000x128xf32, #tpu.memory_space<hbm>> -> memref<20000x128xf32, #tpu.memory_space<hbm>>
        tpu.enqueue_indirect_dma source(%dma_start3A_31 : memref<20000x128xf32, #tpu.memory_space<hbm>>) target(%arg14 : memref<200x128xf32, #tpu.memory_space<vmem>>) offsets(%arg12 : memref<200xi32, #tpu.memory_space<vmem>>) semaphore(%run_scoped3A : memref<!tpu.dma_semaphore, #tpu.memory_space<semaphore_mem>>)
        %dma_wait3A = arith.constant 0 : i32
        %dma_wait3A_32 = arith.constant 0 : i32
        %dma_wait3A_33 = tpu.memref_slice %arg2[%dma_wait3A, %dma_wait3A_32] : memref<20000x128xf32, #tpu.memory_space<hbm>> -> memref<20000x128xf32, #tpu.memory_space<hbm>>
        tpu.wait_indirect_dma semaphore(%run_scoped3A : memref<!tpu.dma_semaphore, #tpu.memory_space<semaphore_mem>>) src(%dma_wait3A_33 : memref<20000x128xf32, #tpu.memory_space<hbm>>) dst(%arg14 : memref<200x128xf32, #tpu.memory_space<vmem>>)
        tpu.yield
      }) : () -> ()
      "tpu.region"() ({
        %run_scoped3A = tpu.sem_alloc : memref<!tpu.dma_semaphore, #tpu.memory_space<semaphore_mem>>
        %dma_start3A = arith.constant 0 : i32
        %dma_start3A_30 = arith.constant 0 : i32
        %dma_start3A_31 = tpu.memref_slice %arg9[%dma_start3A, %dma_start3A_30] : memref<10000x128xf32, #tpu.memory_space<vmem_shared>> -> memref<10000x128xf32, #tpu.memory_space<vmem_shared>>
        tpu.enqueue_indirect_dma source(%arg14 : memref<200x128xf32, #tpu.memory_space<vmem>>) target(%dma_start3A_31 : memref<10000x128xf32, #tpu.memory_space<vmem_shared>>) offsets(%arg13 : memref<200xi32, #tpu.memory_space<vmem>>) semaphore(%run_scoped3A : memref<!tpu.dma_semaphore, #tpu.memory_space<semaphore_mem>>) {add = true}
        %dma_wait3A = arith.constant 0 : i32
        %dma_wait3A_32 = arith.constant 0 : i32
        %dma_wait3A_33 = tpu.memref_slice %arg9[%dma_wait3A, %dma_wait3A_32] : memref<10000x128xf32, #tpu.memory_space<vmem_shared>> -> memref<10000x128xf32, #tpu.memory_space<vmem_shared>>
        tpu.wait_indirect_dma semaphore(%run_scoped3A : memref<!tpu.dma_semaphore, #tpu.memory_space<semaphore_mem>>) src(%arg14 : memref<200x128xf32, #tpu.memory_space<vmem>>) dst(%dma_wait3A_33 : memref<10000x128xf32, #tpu.memory_space<vmem_shared>>)
        tpu.yield
      }) : () -> ()
    }
    %scan3A_8 = arith.constant 50 : i32
    %barrier3A_9 = arith.constant 0 : index
    tpu.barrier barrier_id(%barrier3A_9)
    %add3A = arith.addi %mul3A_4, %mul3A_2 : i32
    "tpu.region"() ({
      %run_scoped3A = tpu.sem_alloc : memref<!tpu.dma_semaphore, #tpu.memory_space<semaphore_mem>>
      %dma_start3A = arith.constant 0 : i32
      %dma_start3A_10 = tpu.memref_slice %arg8[%add3A, %dma_start3A] : memref<20000x128xf32, #tpu.memory_space<hbm>> -> memref<625x128xf32, #tpu.memory_space<hbm>>
      %dma_start3A_11 = arith.constant 0 : i32
      %dma_start3A_12 = tpu.memref_slice %arg9[%mul3A_2, %dma_start3A_11] : memref<10000x128xf32, #tpu.memory_space<vmem_shared>> -> memref<625x128xf32, #tpu.memory_space<vmem_shared>>
      tpu.enqueue_dma source(%dma_start3A_12 : memref<625x128xf32, #tpu.memory_space<vmem_shared>>) target(%dma_start3A_10 : memref<625x128xf32, #tpu.memory_space<hbm>>) target_semaphore(%run_scoped3A : memref<!tpu.dma_semaphore, #tpu.memory_space<semaphore_mem>>)
      %dma_wait3A = arith.constant 0 : i32
      %dma_wait3A_13 = tpu.memref_slice %arg8[%add3A, %dma_wait3A] : memref<20000x128xf32, #tpu.memory_space<hbm>> -> memref<625x128xf32, #tpu.memory_space<hbm>>
      %dma_wait3A_14 = arith.constant 0 : i32
      %dma_wait3A_15 = tpu.memref_slice %arg9[%mul3A_2, %dma_wait3A_14] : memref<10000x128xf32, #tpu.memory_space<vmem_shared>> -> memref<625x128xf32, #tpu.memory_space<vmem_shared>>
      tpu.wait_dma2 semaphore(%run_scoped3A : memref<!tpu.dma_semaphore, #tpu.memory_space<semaphore_mem>>) src(%dma_wait3A_15 : memref<625x128xf32, #tpu.memory_space<vmem_shared>>) dst(%dma_wait3A_13 : memref<625x128xf32, #tpu.memory_space<hbm>>)
      tpu.yield
    }) : () -> ()
    return
  }
}

#map = affine_map<(d0, d1) -> (0, 0)>
#map1 = affine_map<(d0, d1) -> (0)>
module attributes {stable_mosaic.version = 14 : i64} {
  func.func @_segsum_body(%arg0: i32, %arg1: i32, %arg2: memref<20000x128xf32, #tpu.memory_space<hbm>>, %arg3: memref<160000xi32, #tpu.memory_space<hbm>>, %arg4: memref<160000xi32, #tpu.memory_space<hbm>>, %arg5: memref<20000x128xf32, #tpu.memory_space<hbm>>, %arg6: memref<10000x16xf32, #tpu.memory_space<hbm>>, %arg7: memref<200x16xf32, #tpu.memory_space<hbm>>, %arg8: memref<20000x128xf32, #tpu.memory_space<hbm>>, %arg9: memref<10000x16xf32, #tpu.memory_space<hbm>>, %arg10: memref<10000x128xf32, #tpu.memory_space<vmem_shared>>, %arg11: memref<10000x16xf32, #tpu.memory_space<vmem_shared>>, %arg12: memref<200xi32, #tpu.memory_space<vmem>>, %arg13: memref<200xi32, #tpu.memory_space<vmem>>, %arg14: memref<200xi32, #tpu.memory_space<vmem>>, %arg15: memref<200x128xf32, #tpu.memory_space<vmem>>, %arg16: memref<200x16xf32, #tpu.memory_space<vmem>>) attributes {dimension_semantics = [#tpu.dimension_semantics<core_parallel>, #tpu.dimension_semantics<subcore_parallel>], iteration_bounds = array<i64: 2, 16>, scalar_prefetch = 0 : i64, scratch_operands = 7 : i64, tpu.core_type = #tpu.core_type<sc_vector_subcore>, window_params = [{transform_indices = #map}, {transform_indices = #map1}, {transform_indices = #map1}, {transform_indices = #map}, {transform_indices = #map}, {transform_indices = #map}, {transform_indices = #map}, {transform_indices = #map}]} {
    %mul3A = arith.constant 10000 : i32
    %mul3A_0 = arith.muli %arg1, %mul3A : i32
    %mul3A_1 = arith.constant 625 : i32
    %mul3A_2 = arith.muli %arg1, %mul3A_1 : i32
    %mul3A_3 = arith.constant 10000 : i32
    %mul3A_4 = arith.muli %arg0, %mul3A_3 : i32
    "tpu.region"() ({
      %run_scoped3A = tpu.sem_alloc : memref<!tpu.dma_semaphore, #tpu.memory_space<semaphore_mem>>
      %dma_start3A = arith.constant 0 : i32
      %dma_start3A_17 = tpu.memref_slice %arg10[%mul3A_2, %dma_start3A] : memref<10000x128xf32, #tpu.memory_space<vmem_shared>> -> memref<625x128xf32, #tpu.memory_space<vmem_shared>>
      %dma_start3A_18 = arith.constant 0 : i32
      %dma_start3A_19 = tpu.memref_slice %arg5[%mul3A_2, %dma_start3A_18] : memref<20000x128xf32, #tpu.memory_space<hbm>> -> memref<625x128xf32, #tpu.memory_space<hbm>>
      tpu.enqueue_dma source(%dma_start3A_19 : memref<625x128xf32, #tpu.memory_space<hbm>>) target(%dma_start3A_17 : memref<625x128xf32, #tpu.memory_space<vmem_shared>>) target_semaphore(%run_scoped3A : memref<!tpu.dma_semaphore, #tpu.memory_space<semaphore_mem>>)
      %dma_wait3A = arith.constant 0 : i32
      %dma_wait3A_20 = tpu.memref_slice %arg10[%mul3A_2, %dma_wait3A] : memref<10000x128xf32, #tpu.memory_space<vmem_shared>> -> memref<625x128xf32, #tpu.memory_space<vmem_shared>>
      %dma_wait3A_21 = arith.constant 0 : i32
      %dma_wait3A_22 = tpu.memref_slice %arg5[%mul3A_2, %dma_wait3A_21] : memref<20000x128xf32, #tpu.memory_space<hbm>> -> memref<625x128xf32, #tpu.memory_space<hbm>>
      tpu.wait_dma2 semaphore(%run_scoped3A : memref<!tpu.dma_semaphore, #tpu.memory_space<semaphore_mem>>) src(%dma_wait3A_22 : memref<625x128xf32, #tpu.memory_space<hbm>>) dst(%dma_wait3A_20 : memref<625x128xf32, #tpu.memory_space<vmem_shared>>)
      tpu.yield
    }) : () -> ()
    %eq3A = arith.constant 0 : i32
    %eq3A_5 = arith.cmpi eq, %arg0, %eq3A : i32
    %convert_element_type3A = arith.extui %eq3A_5 : i1 to i32
    %cond3A = arith.constant 0 : i32
    %cond3A_6 = arith.cmpi ne, %convert_element_type3A, %cond3A : i32
    scf.if %cond3A_6 {
      "tpu.region"() ({
        %run_scoped3A = tpu.sem_alloc : memref<!tpu.dma_semaphore, #tpu.memory_space<semaphore_mem>>
        %dma_start3A = arith.constant 0 : i32
        %dma_start3A_17 = tpu.memref_slice %arg11[%mul3A_2, %dma_start3A] : memref<10000x16xf32, #tpu.memory_space<vmem_shared>> -> memref<625x16xf32, #tpu.memory_space<vmem_shared>>
        %dma_start3A_18 = arith.constant 0 : i32
        %dma_start3A_19 = tpu.memref_slice %arg6[%mul3A_2, %dma_start3A_18] : memref<10000x16xf32, #tpu.memory_space<hbm>> -> memref<625x16xf32, #tpu.memory_space<hbm>>
        tpu.enqueue_dma source(%dma_start3A_19 : memref<625x16xf32, #tpu.memory_space<hbm>>) target(%dma_start3A_17 : memref<625x16xf32, #tpu.memory_space<vmem_shared>>) target_semaphore(%run_scoped3A : memref<!tpu.dma_semaphore, #tpu.memory_space<semaphore_mem>>)
        %dma_wait3A = arith.constant 0 : i32
        %dma_wait3A_20 = tpu.memref_slice %arg11[%mul3A_2, %dma_wait3A] : memref<10000x16xf32, #tpu.memory_space<vmem_shared>> -> memref<625x16xf32, #tpu.memory_space<vmem_shared>>
        %dma_wait3A_21 = arith.constant 0 : i32
        %dma_wait3A_22 = tpu.memref_slice %arg6[%mul3A_2, %dma_wait3A_21] : memref<10000x16xf32, #tpu.memory_space<hbm>> -> memref<625x16xf32, #tpu.memory_space<hbm>>
        tpu.wait_dma2 semaphore(%run_scoped3A : memref<!tpu.dma_semaphore, #tpu.memory_space<semaphore_mem>>) src(%dma_wait3A_22 : memref<625x16xf32, #tpu.memory_space<hbm>>) dst(%dma_wait3A_20 : memref<625x16xf32, #tpu.memory_space<vmem_shared>>)
        tpu.yield
      }) : () -> ()
      "tpu.region"() ({
        %run_scoped3A = tpu.sem_alloc : memref<!tpu.dma_semaphore, #tpu.memory_space<semaphore_mem>>
        tpu.enqueue_dma source(%arg7 : memref<200x16xf32, #tpu.memory_space<hbm>>) target(%arg16 : memref<200x16xf32, #tpu.memory_space<vmem>>) target_semaphore(%run_scoped3A : memref<!tpu.dma_semaphore, #tpu.memory_space<semaphore_mem>>)
        tpu.wait_dma2 semaphore(%run_scoped3A : memref<!tpu.dma_semaphore, #tpu.memory_space<semaphore_mem>>) src(%arg7 : memref<200x16xf32, #tpu.memory_space<hbm>>) dst(%arg16 : memref<200x16xf32, #tpu.memory_space<vmem>>)
        tpu.yield
      }) : () -> ()
    } else {
    }
    %barrier3A = arith.constant 0 : index
    tpu.barrier barrier_id(%barrier3A)
    %scan3A = arith.constant 0 : i32
    %scan3A_7 = arith.constant 50 : i32
    %scan3A_8 = arith.addi %scan3A, %scan3A_7 : i32
    %scan3A_9 = arith.constant 1 : i32
    scf.for %scan3A_17 = %scan3A to %scan3A_8 step %scan3A_9  : i32 {
      %mul3A_18 = arith.constant 1 : i32
      %mul3A_19 = arith.muli %scan3A_17, %mul3A_18 : i32
      %add3A_20 = arith.constant 0 : i32
      %add3A_21 = arith.addi %add3A_20, %mul3A_19 : i32
      %mul3A_22 = arith.constant 200 : i32
      %mul3A_23 = arith.muli %add3A_21, %mul3A_22 : i32
      %add3A_24 = arith.addi %mul3A_0, %mul3A_23 : i32
      "tpu.region"() ({
        %run_scoped3A = tpu.sem_alloc : memref<!tpu.dma_semaphore, #tpu.memory_space<semaphore_mem>>
        %dma_start3A = tpu.memref_slice %arg3[%add3A_24] : memref<160000xi32, #tpu.memory_space<hbm>> -> memref<200xi32, #tpu.memory_space<hbm>>
        %dma_start3A_42 = tpu.memref_slice %arg3[%add3A_24] : memref<160000xi32, #tpu.memory_space<hbm>> -> memref<200xi32, #tpu.memory_space<hbm>>
        tpu.enqueue_dma source(%dma_start3A_42 : memref<200xi32, #tpu.memory_space<hbm>>) target(%arg12 : memref<200xi32, #tpu.memory_space<vmem>>) target_semaphore(%run_scoped3A : memref<!tpu.dma_semaphore, #tpu.memory_space<semaphore_mem>>)
        %dma_wait3A = tpu.memref_slice %arg3[%add3A_24] : memref<160000xi32, #tpu.memory_space<hbm>> -> memref<200xi32, #tpu.memory_space<hbm>>
        %dma_wait3A_43 = tpu.memref_slice %arg3[%add3A_24] : memref<160000xi32, #tpu.memory_space<hbm>> -> memref<200xi32, #tpu.memory_space<hbm>>
        tpu.wait_dma2 semaphore(%run_scoped3A : memref<!tpu.dma_semaphore, #tpu.memory_space<semaphore_mem>>) src(%dma_wait3A_43 : memref<200xi32, #tpu.memory_space<hbm>>) dst(%arg12 : memref<200xi32, #tpu.memory_space<vmem>>)
        tpu.yield
      }) : () -> ()
      "tpu.region"() ({
        %run_scoped3A = tpu.sem_alloc : memref<!tpu.dma_semaphore, #tpu.memory_space<semaphore_mem>>
        %dma_start3A = tpu.memref_slice %arg4[%add3A_24] : memref<160000xi32, #tpu.memory_space<hbm>> -> memref<200xi32, #tpu.memory_space<hbm>>
        %dma_start3A_42 = tpu.memref_slice %arg4[%add3A_24] : memref<160000xi32, #tpu.memory_space<hbm>> -> memref<200xi32, #tpu.memory_space<hbm>>
        tpu.enqueue_dma source(%dma_start3A_42 : memref<200xi32, #tpu.memory_space<hbm>>) target(%arg14 : memref<200xi32, #tpu.memory_space<vmem>>) target_semaphore(%run_scoped3A : memref<!tpu.dma_semaphore, #tpu.memory_space<semaphore_mem>>)
        %dma_wait3A = tpu.memref_slice %arg4[%add3A_24] : memref<160000xi32, #tpu.memory_space<hbm>> -> memref<200xi32, #tpu.memory_space<hbm>>
        %dma_wait3A_43 = tpu.memref_slice %arg4[%add3A_24] : memref<160000xi32, #tpu.memory_space<hbm>> -> memref<200xi32, #tpu.memory_space<hbm>>
        tpu.wait_dma2 semaphore(%run_scoped3A : memref<!tpu.dma_semaphore, #tpu.memory_space<semaphore_mem>>) src(%dma_wait3A_43 : memref<200xi32, #tpu.memory_space<hbm>>) dst(%arg14 : memref<200xi32, #tpu.memory_space<vmem>>)
        tpu.yield
      }) : () -> ()
      %scan3A_25 = arith.constant 0 : i32
      %scan3A_26 = arith.constant 12 : i32
      %scan3A_27 = arith.addi %scan3A_25, %scan3A_26 : i32
      %scan3A_28 = arith.constant 1 : i32
      scf.for %scan3A_42 = %scan3A_25 to %scan3A_27 step %scan3A_28  : i32 {
        %mul3A_43 = arith.constant 16 : i32
        %mul3A_44 = arith.muli %scan3A_42, %mul3A_43 : i32
        %add3A_45 = arith.constant 0 : i32
        %add3A_46 = arith.addi %add3A_45, %mul3A_44 : i32
        %get3A_47 = arith.index_cast %add3A_46 : i32 to index
        %get3A_48 = tpu.vector_load %arg12[%get3A_47] {strides = array<i32>} : memref<200xi32, #tpu.memory_space<vmem>>, vector<16xi32>,
        %get3A_49 = vector.shape_cast %get3A_48 : vector<16xi32> to vector<16xi32>
        %add3A_50 = vector.broadcast %mul3A_4 : i32 to vector<16xi32>
        %add3A_51 = arith.addi %get3A_49, %add3A_50 : vector<16xi32>
        %swap3A_52 = arith.index_cast %add3A_46 : i32 to index
        %swap3A_53 = tpu.vector_load %arg13[%swap3A_52] {strides = array<i32>} : memref<200xi32, #tpu.memory_space<vmem>>, vector<16xi32>,
        %swap3A_54 = vector.shape_cast %swap3A_53 : vector<16xi32> to vector<16xi32>
        %swap3A_55 = vector.shape_cast %add3A_51 : vector<16xi32> to vector<16xi32>
        tpu.vector_store %arg13[%swap3A_52], %swap3A_55 {strides = array<i32>} : memref<200xi32, #tpu.memory_space<vmem>>, vector<16xi32>,
      }
      %scan3A_29 = arith.constant 12 : i32
      %get3A = arith.constant 184 : index
      %get3A_30 = tpu.vector_load %arg12[%get3A] {strides = array<i32>} : memref<200xi32, #tpu.memory_space<vmem>>, vector<16xi32>,
      %get3A_31 = vector.shape_cast %get3A_30 : vector<16xi32> to vector<16xi32>
      %add3A_32 = vector.broadcast %mul3A_4 : i32 to vector<16xi32>
      %add3A_33 = arith.addi %get3A_31, %add3A_32 : vector<16xi32>
      %swap3A = arith.constant 184 : index
      %swap3A_34 = tpu.vector_load %arg13[%swap3A] {strides = array<i32>} : memref<200xi32, #tpu.memory_space<vmem>>, vector<16xi32>,
      %swap3A_35 = vector.shape_cast %swap3A_34 : vector<16xi32> to vector<16xi32>
      %swap3A_36 = vector.shape_cast %add3A_33 : vector<16xi32> to vector<16xi32>
      tpu.vector_store %arg13[%swap3A], %swap3A_36 {strides = array<i32>} : memref<200xi32, #tpu.memory_space<vmem>>, vector<16xi32>,
      "tpu.region"() ({
        %run_scoped3A = tpu.sem_alloc : memref<!tpu.dma_semaphore, #tpu.memory_space<semaphore_mem>>
        %dma_start3A = arith.constant 0 : i32
        %dma_start3A_42 = arith.constant 0 : i32
        %dma_start3A_43 = tpu.memref_slice %arg2[%dma_start3A, %dma_start3A_42] : memref<20000x128xf32, #tpu.memory_space<hbm>> -> memref<20000x128xf32, #tpu.memory_space<hbm>>
        tpu.enqueue_indirect_dma source(%dma_start3A_43 : memref<20000x128xf32, #tpu.memory_space<hbm>>) target(%arg15 : memref<200x128xf32, #tpu.memory_space<vmem>>) offsets(%arg13 : memref<200xi32, #tpu.memory_space<vmem>>) semaphore(%run_scoped3A : memref<!tpu.dma_semaphore, #tpu.memory_space<semaphore_mem>>)
        %dma_wait3A = arith.constant 0 : i32
        %dma_wait3A_44 = arith.constant 0 : i32
        %dma_wait3A_45 = tpu.memref_slice %arg2[%dma_wait3A, %dma_wait3A_44] : memref<20000x128xf32, #tpu.memory_space<hbm>> -> memref<20000x128xf32, #tpu.memory_space<hbm>>
        tpu.wait_indirect_dma semaphore(%run_scoped3A : memref<!tpu.dma_semaphore, #tpu.memory_space<semaphore_mem>>) src(%dma_wait3A_45 : memref<20000x128xf32, #tpu.memory_space<hbm>>) dst(%arg15 : memref<200x128xf32, #tpu.memory_space<vmem>>)
        tpu.yield
      }) : () -> ()
      "tpu.region"() ({
        %run_scoped3A = tpu.sem_alloc : memref<!tpu.dma_semaphore, #tpu.memory_space<semaphore_mem>>
        %dma_start3A = arith.constant 0 : i32
        %dma_start3A_42 = arith.constant 0 : i32
        %dma_start3A_43 = tpu.memref_slice %arg10[%dma_start3A, %dma_start3A_42] : memref<10000x128xf32, #tpu.memory_space<vmem_shared>> -> memref<10000x128xf32, #tpu.memory_space<vmem_shared>>
        tpu.enqueue_indirect_dma source(%arg15 : memref<200x128xf32, #tpu.memory_space<vmem>>) target(%dma_start3A_43 : memref<10000x128xf32, #tpu.memory_space<vmem_shared>>) offsets(%arg14 : memref<200xi32, #tpu.memory_space<vmem>>) semaphore(%run_scoped3A : memref<!tpu.dma_semaphore, #tpu.memory_space<semaphore_mem>>) {add = true}
        %dma_wait3A = arith.constant 0 : i32
        %dma_wait3A_44 = arith.constant 0 : i32
        %dma_wait3A_45 = tpu.memref_slice %arg10[%dma_wait3A, %dma_wait3A_44] : memref<10000x128xf32, #tpu.memory_space<vmem_shared>> -> memref<10000x128xf32, #tpu.memory_space<vmem_shared>>
        tpu.wait_indirect_dma semaphore(%run_scoped3A : memref<!tpu.dma_semaphore, #tpu.memory_space<semaphore_mem>>) src(%arg15 : memref<200x128xf32, #tpu.memory_space<vmem>>) dst(%dma_wait3A_45 : memref<10000x128xf32, #tpu.memory_space<vmem_shared>>)
        tpu.yield
      }) : () -> ()
      %eq3A_37 = arith.constant 0 : i32
      %eq3A_38 = arith.cmpi eq, %arg0, %eq3A_37 : i32
      %convert_element_type3A_39 = arith.extui %eq3A_38 : i1 to i32
      %cond3A_40 = arith.constant 0 : i32
      %cond3A_41 = arith.cmpi ne, %convert_element_type3A_39, %cond3A_40 : i32
      scf.if %cond3A_41 {
        "tpu.region"() ({
          %run_scoped3A = tpu.sem_alloc : memref<!tpu.dma_semaphore, #tpu.memory_space<semaphore_mem>>
          %dma_start3A = arith.constant 0 : i32
          %dma_start3A_42 = arith.constant 0 : i32
          %dma_start3A_43 = tpu.memref_slice %arg11[%dma_start3A, %dma_start3A_42] : memref<10000x16xf32, #tpu.memory_space<vmem_shared>> -> memref<10000x16xf32, #tpu.memory_space<vmem_shared>>
          tpu.enqueue_indirect_dma source(%arg16 : memref<200x16xf32, #tpu.memory_space<vmem>>) target(%dma_start3A_43 : memref<10000x16xf32, #tpu.memory_space<vmem_shared>>) offsets(%arg14 : memref<200xi32, #tpu.memory_space<vmem>>) semaphore(%run_scoped3A : memref<!tpu.dma_semaphore, #tpu.memory_space<semaphore_mem>>) {add = true}
          %dma_wait3A = arith.constant 0 : i32
          %dma_wait3A_44 = arith.constant 0 : i32
          %dma_wait3A_45 = tpu.memref_slice %arg11[%dma_wait3A, %dma_wait3A_44] : memref<10000x16xf32, #tpu.memory_space<vmem_shared>> -> memref<10000x16xf32, #tpu.memory_space<vmem_shared>>
          tpu.wait_indirect_dma semaphore(%run_scoped3A : memref<!tpu.dma_semaphore, #tpu.memory_space<semaphore_mem>>) src(%arg16 : memref<200x16xf32, #tpu.memory_space<vmem>>) dst(%dma_wait3A_45 : memref<10000x16xf32, #tpu.memory_space<vmem_shared>>)
          tpu.yield
        }) : () -> ()
      } else {
      }
    }
    %scan3A_10 = arith.constant 50 : i32
    %barrier3A_11 = arith.constant 0 : index
    tpu.barrier barrier_id(%barrier3A_11)
    %add3A = arith.addi %mul3A_4, %mul3A_2 : i32
    "tpu.region"() ({
      %run_scoped3A = tpu.sem_alloc : memref<!tpu.dma_semaphore, #tpu.memory_space<semaphore_mem>>
      %dma_start3A = arith.constant 0 : i32
      %dma_start3A_17 = tpu.memref_slice %arg8[%add3A, %dma_start3A] : memref<20000x128xf32, #tpu.memory_space<hbm>> -> memref<625x128xf32, #tpu.memory_space<hbm>>
      %dma_start3A_18 = arith.constant 0 : i32
      %dma_start3A_19 = tpu.memref_slice %arg10[%mul3A_2, %dma_start3A_18] : memref<10000x128xf32, #tpu.memory_space<vmem_shared>> -> memref<625x128xf32, #tpu.memory_space<vmem_shared>>
      tpu.enqueue_dma source(%dma_start3A_19 : memref<625x128xf32, #tpu.memory_space<vmem_shared>>) target(%dma_start3A_17 : memref<625x128xf32, #tpu.memory_space<hbm>>) target_semaphore(%run_scoped3A : memref<!tpu.dma_semaphore, #tpu.memory_space<semaphore_mem>>)
      %dma_wait3A = arith.constant 0 : i32
      %dma_wait3A_20 = tpu.memref_slice %arg8[%add3A, %dma_wait3A] : memref<20000x128xf32, #tpu.memory_space<hbm>> -> memref<625x128xf32, #tpu.memory_space<hbm>>
      %dma_wait3A_21 = arith.constant 0 : i32
      %dma_wait3A_22 = tpu.memref_slice %arg10[%mul3A_2, %dma_wait3A_21] : memref<10000x128xf32, #tpu.memory_space<vmem_shared>> -> memref<625x128xf32, #tpu.memory_space<vmem_shared>>
      tpu.wait_dma2 semaphore(%run_scoped3A : memref<!tpu.dma_semaphore, #tpu.memory_space<semaphore_mem>>) src(%dma_wait3A_22 : memref<625x128xf32, #tpu.memory_space<vmem_shared>>) dst(%dma_wait3A_20 : memref<625x128xf32, #tpu.memory_space<hbm>>)
      tpu.yield
    }) : () -> ()
    %eq3A_12 = arith.constant 0 : i32
    %eq3A_13 = arith.cmpi eq, %arg0, %eq3A_12 : i32
    %convert_element_type3A_14 = arith.extui %eq3A_13 : i1 to i32
    %cond3A_15 = arith.constant 0 : i32
    %cond3A_16 = arith.cmpi ne, %convert_element_type3A_14, %cond3A_15 : i32
    scf.if %cond3A_16 {
      "tpu.region"() ({
        %run_scoped3A = tpu.sem_alloc : memref<!tpu.dma_semaphore, #tpu.memory_space<semaphore_mem>>
        %dma_start3A = arith.constant 0 : i32
        %dma_start3A_17 = tpu.memref_slice %arg9[%mul3A_2, %dma_start3A] : memref<10000x16xf32, #tpu.memory_space<hbm>> -> memref<625x16xf32, #tpu.memory_space<hbm>>
        %dma_start3A_18 = arith.constant 0 : i32
        %dma_start3A_19 = tpu.memref_slice %arg11[%mul3A_2, %dma_start3A_18] : memref<10000x16xf32, #tpu.memory_space<vmem_shared>> -> memref<625x16xf32, #tpu.memory_space<vmem_shared>>
        tpu.enqueue_dma source(%dma_start3A_19 : memref<625x16xf32, #tpu.memory_space<vmem_shared>>) target(%dma_start3A_17 : memref<625x16xf32, #tpu.memory_space<hbm>>) target_semaphore(%run_scoped3A : memref<!tpu.dma_semaphore, #tpu.memory_space<semaphore_mem>>)
        %dma_wait3A = arith.constant 0 : i32
        %dma_wait3A_20 = tpu.memref_slice %arg9[%mul3A_2, %dma_wait3A] : memref<10000x16xf32, #tpu.memory_space<hbm>> -> memref<625x16xf32, #tpu.memory_space<hbm>>
        %dma_wait3A_21 = arith.constant 0 : i32
        %dma_wait3A_22 = tpu.memref_slice %arg11[%mul3A_2, %dma_wait3A_21] : memref<10000x16xf32, #tpu.memory_space<vmem_shared>> -> memref<625x16xf32, #tpu.memory_space<vmem_shared>>
        tpu.wait_dma2 semaphore(%run_scoped3A : memref<!tpu.dma_semaphore, #tpu.memory_space<semaphore_mem>>) src(%dma_wait3A_22 : memref<625x16xf32, #tpu.memory_space<vmem_shared>>) dst(%dma_wait3A_20 : memref<625x16xf32, #tpu.memory_space<hbm>>)
        tpu.yield
      }) : () -> ()
    } else {
    }
    return
  }
}

#map = affine_map<(d0, d1) -> (0, 0)>
#map1 = affine_map<(d0, d1) -> (0)>
module attributes {stable_mosaic.version = 14 : i64} {
  func.func @_qgather_body(%arg0: i32, %arg1: i32, %arg2: memref<10000x256xf32, #tpu.memory_space<hbm>>, %arg3: memref<10000x256xf32, #tpu.memory_space<hbm>>, %arg4: memref<160000xi32, #tpu.memory_space<hbm>>, %arg5: memref<160000xi32, #tpu.memory_space<hbm>>, %arg6: memref<160000x256xf32, #tpu.memory_space<hbm>>, %arg7: memref<160000x256xf32, #tpu.memory_space<hbm>>, %arg8: memref<200xi32, #tpu.memory_space<vmem>>, %arg9: memref<200xi32, #tpu.memory_space<vmem>>, %arg10: memref<200x256xf32, #tpu.memory_space<vmem>>, %arg11: memref<200x256xf32, #tpu.memory_space<vmem>>) attributes {dimension_semantics = [#tpu.dimension_semantics<core_parallel>, #tpu.dimension_semantics<subcore_parallel>], iteration_bounds = array<i64: 2, 16>, scalar_prefetch = 0 : i64, scratch_operands = 4 : i64, tpu.core_type = #tpu.core_type<sc_vector_subcore>, window_params = [{transform_indices = #map}, {transform_indices = #map}, {transform_indices = #map1}, {transform_indices = #map1}, {transform_indices = #map}, {transform_indices = #map}]} {
    %mul3A = arith.constant 2 : i32
    %mul3A_0 = arith.muli %arg1, %mul3A : i32
    %add3A = arith.addi %mul3A_0, %arg0 : i32
    %mul3A_1 = arith.constant 5000 : i32
    %mul3A_2 = arith.muli %add3A, %mul3A_1 : i32
    %scan3A = arith.constant 0 : i32
    %scan3A_3 = arith.constant 25 : i32
    %scan3A_4 = arith.addi %scan3A, %scan3A_3 : i32
    %scan3A_5 = arith.constant 1 : i32
    scf.for %scan3A_7 = %scan3A to %scan3A_4 step %scan3A_5  : i32 {
      %mul3A_8 = arith.constant 1 : i32
      %mul3A_9 = arith.muli %scan3A_7, %mul3A_8 : i32
      %add3A_10 = arith.constant 0 : i32
      %add3A_11 = arith.addi %add3A_10, %mul3A_9 : i32
      %mul3A_12 = arith.constant 200 : i32
      %mul3A_13 = arith.muli %add3A_11, %mul3A_12 : i32
      %add3A_14 = arith.addi %mul3A_2, %mul3A_13 : i32
      "tpu.region"() ({
        %run_scoped3A = tpu.sem_alloc : memref<!tpu.dma_semaphore, #tpu.memory_space<semaphore_mem>>
        %dma_start3A = tpu.memref_slice %arg4[%add3A_14] : memref<160000xi32, #tpu.memory_space<hbm>> -> memref<200xi32, #tpu.memory_space<hbm>>
        %dma_start3A_15 = tpu.memref_slice %arg4[%add3A_14] : memref<160000xi32, #tpu.memory_space<hbm>> -> memref<200xi32, #tpu.memory_space<hbm>>
        tpu.enqueue_dma source(%dma_start3A_15 : memref<200xi32, #tpu.memory_space<hbm>>) target(%arg8 : memref<200xi32, #tpu.memory_space<vmem>>) target_semaphore(%run_scoped3A : memref<!tpu.dma_semaphore, #tpu.memory_space<semaphore_mem>>)
        %dma_wait3A = tpu.memref_slice %arg4[%add3A_14] : memref<160000xi32, #tpu.memory_space<hbm>> -> memref<200xi32, #tpu.memory_space<hbm>>
        %dma_wait3A_16 = tpu.memref_slice %arg4[%add3A_14] : memref<160000xi32, #tpu.memory_space<hbm>> -> memref<200xi32, #tpu.memory_space<hbm>>
        tpu.wait_dma2 semaphore(%run_scoped3A : memref<!tpu.dma_semaphore, #tpu.memory_space<semaphore_mem>>) src(%dma_wait3A_16 : memref<200xi32, #tpu.memory_space<hbm>>) dst(%arg8 : memref<200xi32, #tpu.memory_space<vmem>>)
        tpu.yield
      }) : () -> ()
      "tpu.region"() ({
        %run_scoped3A = tpu.sem_alloc : memref<!tpu.dma_semaphore, #tpu.memory_space<semaphore_mem>>
        %dma_start3A = tpu.memref_slice %arg5[%add3A_14] : memref<160000xi32, #tpu.memory_space<hbm>> -> memref<200xi32, #tpu.memory_space<hbm>>
        %dma_start3A_15 = tpu.memref_slice %arg5[%add3A_14] : memref<160000xi32, #tpu.memory_space<hbm>> -> memref<200xi32, #tpu.memory_space<hbm>>
        tpu.enqueue_dma source(%dma_start3A_15 : memref<200xi32, #tpu.memory_space<hbm>>) target(%arg9 : memref<200xi32, #tpu.memory_space<vmem>>) target_semaphore(%run_scoped3A : memref<!tpu.dma_semaphore, #tpu.memory_space<semaphore_mem>>)
        %dma_wait3A = tpu.memref_slice %arg5[%add3A_14] : memref<160000xi32, #tpu.memory_space<hbm>> -> memref<200xi32, #tpu.memory_space<hbm>>
        %dma_wait3A_16 = tpu.memref_slice %arg5[%add3A_14] : memref<160000xi32, #tpu.memory_space<hbm>> -> memref<200xi32, #tpu.memory_space<hbm>>
        tpu.wait_dma2 semaphore(%run_scoped3A : memref<!tpu.dma_semaphore, #tpu.memory_space<semaphore_mem>>) src(%dma_wait3A_16 : memref<200xi32, #tpu.memory_space<hbm>>) dst(%arg9 : memref<200xi32, #tpu.memory_space<vmem>>)
        tpu.yield
      }) : () -> ()
      "tpu.region"() ({
        %run_scoped3A = tpu.sem_alloc : memref<!tpu.dma_semaphore, #tpu.memory_space<semaphore_mem>>
        %dma_start3A = arith.constant 0 : i32
        %dma_start3A_15 = arith.constant 0 : i32
        %dma_start3A_16 = tpu.memref_slice %arg2[%dma_start3A, %dma_start3A_15] : memref<10000x256xf32, #tpu.memory_space<hbm>> -> memref<10000x256xf32, #tpu.memory_space<hbm>>
        tpu.enqueue_indirect_dma source(%dma_start3A_16 : memref<10000x256xf32, #tpu.memory_space<hbm>>) target(%arg10 : memref<200x256xf32, #tpu.memory_space<vmem>>) offsets(%arg8 : memref<200xi32, #tpu.memory_space<vmem>>) semaphore(%run_scoped3A : memref<!tpu.dma_semaphore, #tpu.memory_space<semaphore_mem>>)
        %dma_wait3A = arith.constant 0 : i32
        %dma_wait3A_17 = arith.constant 0 : i32
        %dma_wait3A_18 = tpu.memref_slice %arg2[%dma_wait3A, %dma_wait3A_17] : memref<10000x256xf32, #tpu.memory_space<hbm>> -> memref<10000x256xf32, #tpu.memory_space<hbm>>
        tpu.wait_indirect_dma semaphore(%run_scoped3A : memref<!tpu.dma_semaphore, #tpu.memory_space<semaphore_mem>>) src(%dma_wait3A_18 : memref<10000x256xf32, #tpu.memory_space<hbm>>) dst(%arg10 : memref<200x256xf32, #tpu.memory_space<vmem>>)
        tpu.yield
      }) : () -> ()
      "tpu.region"() ({
        %run_scoped3A = tpu.sem_alloc : memref<!tpu.dma_semaphore, #tpu.memory_space<semaphore_mem>>
        %dma_start3A = arith.constant 0 : i32
        %dma_start3A_15 = arith.constant 0 : i32
        %dma_start3A_16 = tpu.memref_slice %arg3[%dma_start3A, %dma_start3A_15] : memref<10000x256xf32, #tpu.memory_space<hbm>> -> memref<10000x256xf32, #tpu.memory_space<hbm>>
        tpu.enqueue_indirect_dma source(%dma_start3A_16 : memref<10000x256xf32, #tpu.memory_space<hbm>>) target(%arg11 : memref<200x256xf32, #tpu.memory_space<vmem>>) offsets(%arg9 : memref<200xi32, #tpu.memory_space<vmem>>) semaphore(%run_scoped3A : memref<!tpu.dma_semaphore, #tpu.memory_space<semaphore_mem>>)
        %dma_wait3A = arith.constant 0 : i32
        %dma_wait3A_17 = arith.constant 0 : i32
        %dma_wait3A_18 = tpu.memref_slice %arg3[%dma_wait3A, %dma_wait3A_17] : memref<10000x256xf32, #tpu.memory_space<hbm>> -> memref<10000x256xf32, #tpu.memory_space<hbm>>
        tpu.wait_indirect_dma semaphore(%run_scoped3A : memref<!tpu.dma_semaphore, #tpu.memory_space<semaphore_mem>>) src(%dma_wait3A_18 : memref<10000x256xf32, #tpu.memory_space<hbm>>) dst(%arg11 : memref<200x256xf32, #tpu.memory_space<vmem>>)
        tpu.yield
      }) : () -> ()
      "tpu.region"() ({
        %run_scoped3A = tpu.sem_alloc : memref<!tpu.dma_semaphore, #tpu.memory_space<semaphore_mem>>
        %dma_start3A = arith.constant 0 : i32
        %dma_start3A_15 = tpu.memref_slice %arg6[%add3A_14, %dma_start3A] : memref<160000x256xf32, #tpu.memory_space<hbm>> -> memref<200x256xf32, #tpu.memory_space<hbm>>
        %dma_start3A_16 = arith.constant 0 : i32
        %dma_start3A_17 = tpu.memref_slice %arg6[%add3A_14, %dma_start3A_16] : memref<160000x256xf32, #tpu.memory_space<hbm>> -> memref<200x256xf32, #tpu.memory_space<hbm>>
        tpu.enqueue_dma source(%arg10 : memref<200x256xf32, #tpu.memory_space<vmem>>) target(%dma_start3A_17 : memref<200x256xf32, #tpu.memory_space<hbm>>) target_semaphore(%run_scoped3A : memref<!tpu.dma_semaphore, #tpu.memory_space<semaphore_mem>>)
        %dma_wait3A = arith.constant 0 : i32
        %dma_wait3A_18 = tpu.memref_slice %arg6[%add3A_14, %dma_wait3A] : memref<160000x256xf32, #tpu.memory_space<hbm>> -> memref<200x256xf32, #tpu.memory_space<hbm>>
        %dma_wait3A_19 = arith.constant 0 : i32
        %dma_wait3A_20 = tpu.memref_slice %arg6[%add3A_14, %dma_wait3A_19] : memref<160000x256xf32, #tpu.memory_space<hbm>> -> memref<200x256xf32, #tpu.memory_space<hbm>>
        tpu.wait_dma2 semaphore(%run_scoped3A : memref<!tpu.dma_semaphore, #tpu.memory_space<semaphore_mem>>) src(%arg10 : memref<200x256xf32, #tpu.memory_space<vmem>>) dst(%dma_wait3A_20 : memref<200x256xf32, #tpu.memory_space<hbm>>)
        tpu.yield
      }) : () -> ()
      "tpu.region"() ({
        %run_scoped3A = tpu.sem_alloc : memref<!tpu.dma_semaphore, #tpu.memory_space<semaphore_mem>>
        %dma_start3A = arith.constant 0 : i32
        %dma_start3A_15 = tpu.memref_slice %arg7[%add3A_14, %dma_start3A] : memref<160000x256xf32, #tpu.memory_space<hbm>> -> memref<200x256xf32, #tpu.memory_space<hbm>>
        %dma_start3A_16 = arith.constant 0 : i32
        %dma_start3A_17 = tpu.memref_slice %arg7[%add3A_14, %dma_start3A_16] : memref<160000x256xf32, #tpu.memory_space<hbm>> -> memref<200x256xf32, #tpu.memory_space<hbm>>
        tpu.enqueue_dma source(%arg11 : memref<200x256xf32, #tpu.memory_space<vmem>>) target(%dma_start3A_17 : memref<200x256xf32, #tpu.memory_space<hbm>>) target_semaphore(%run_scoped3A : memref<!tpu.dma_semaphore, #tpu.memory_space<semaphore_mem>>)
        %dma_wait3A = arith.constant 0 : i32
        %dma_wait3A_18 = tpu.memref_slice %arg7[%add3A_14, %dma_wait3A] : memref<160000x256xf32, #tpu.memory_space<hbm>> -> memref<200x256xf32, #tpu.memory_space<hbm>>
        %dma_wait3A_19 = arith.constant 0 : i32
        %dma_wait3A_20 = tpu.memref_slice %arg7[%add3A_14, %dma_wait3A_19] : memref<160000x256xf32, #tpu.memory_space<hbm>> -> memref<200x256xf32, #tpu.memory_space<hbm>>
        tpu.wait_dma2 semaphore(%run_scoped3A : memref<!tpu.dma_semaphore, #tpu.memory_space<semaphore_mem>>) src(%arg11 : memref<200x256xf32, #tpu.memory_space<vmem>>) dst(%dma_wait3A_20 : memref<200x256xf32, #tpu.memory_space<hbm>>)
        tpu.yield
      }) : () -> ()
    }
    %scan3A_6 = arith.constant 25 : i32
    return
  }
}

module attributes {stable_mosaic.version = 14 : i64} {
  func.func @_proj1_body(%arg0: i32, %arg1: i32, %arg2: memref<2000x256xf32, #tpu.memory_space<vmem>>, %arg3: memref<256x128xf32, #tpu.memory_space<vmem>>, %arg4: memref<256x256xf32, #tpu.memory_space<vmem>>, %arg5: memref<1x256xf32, #tpu.memory_space<vmem>>, %arg6: memref<2000x128xf32, #tpu.memory_space<vmem>>, %arg7: memref<2000x256xf32, #tpu.memory_space<vmem>>) attributes {dimension_semantics = [#tpu.dimension_semantics<arbitrary>, #tpu.dimension_semantics<arbitrary>], iteration_bounds = array<i64: 5, 2>, scalar_prefetch = 0 : i64, scratch_operands = 0 : i64, tpu.core_type = #tpu.core_type<tc>, window_params = [{transform_indices = @transform_0, window_bounds = array<i64: 2000, 256>}, {transform_indices = @transform_1, window_bounds = array<i64: 256, 128>}, {pipeline_mode = #tpu.pipeline_mode<synchronous>, transform_indices = @transform_2, window_bounds = array<i64: 256, 256>}, {pipeline_mode = #tpu.pipeline_mode<synchronous>, transform_indices = @transform_3, window_bounds = array<i64: 1, 256>}, {transform_indices = @transform_4, window_bounds = array<i64: 2000, 128>}, {transform_indices = @transform_5, window_bounds = array<i64: 2000, 256>}]} {
    %get3A = arith.constant 0 : index
    %get3A_0 = arith.constant 0 : index
    %get3A_1 = vector.load %arg2[%get3A, %get3A_0] : memref<2000x256xf32, #tpu.memory_space<vmem>>, vector<2000x256xf32>
    %get3A_2 = arith.constant 0 : index
    %get3A_3 = arith.constant 0 : index
    %get3A_4 = vector.load %arg3[%get3A_2, %get3A_3] : memref<256x128xf32, #tpu.memory_space<vmem>>, vector<256x128xf32>
    %dot_general3A = arith.constant dense<0.000000e+00> : vector<2000x128xf32>
    %dot_general3A_5 = tpu.matmul %get3A_1, %get3A_4, %dot_general3A {dimension_numbers = #tpu.dot_dimension_numbers<[1], [0], [0], [1], [0, 0, 1, 1], [], []>, transpose_lhs_hint = false} : vector<2000x256xf32>, vector<256x128xf32>, vector<2000x128xf32> -> vector<2000x128xf32>
    %swap3A = arith.constant 0 : index
    %swap3A_6 = arith.constant 0 : index
    %swap3A_7 = vector.load %arg6[%swap3A, %swap3A_6] : memref<2000x128xf32, #tpu.memory_space<vmem>>, vector<2000x128xf32>
    tpu.vector_store %arg6[%swap3A, %swap3A_6], %dot_general3A_5 {strides = array<i32>} : memref<2000x128xf32, #tpu.memory_space<vmem>>, vector<2000x128xf32>,
    %get3A_8 = arith.constant 0 : index
    %get3A_9 = arith.constant 0 : index
    %get3A_10 = vector.load %arg4[%get3A_8, %get3A_9] : memref<256x256xf32, #tpu.memory_space<vmem>>, vector<256x256xf32>
    %dot_general3A_11 = arith.constant dense<0.000000e+00> : vector<2000x256xf32>
    %dot_general3A_12 = tpu.matmul %get3A_1, %get3A_10, %dot_general3A_11 {dimension_numbers = #tpu.dot_dimension_numbers<[1], [0], [0], [1], [0, 0, 1, 1], [], []>, transpose_lhs_hint = false} : vector<2000x256xf32>, vector<256x256xf32>, vector<2000x256xf32> -> vector<2000x256xf32>
    %get3A_13 = arith.constant 0 : index
    %get3A_14 = arith.constant 0 : index
    %get3A_15 = vector.load %arg5[%get3A_13, %get3A_14] : memref<1x256xf32, #tpu.memory_space<vmem>>, vector<1x256xf32>
    %add3A = vector.broadcast %get3A_15 : vector<1x256xf32> to vector<2000x256xf32>
    %add3A_16 = arith.addf %dot_general3A_12, %add3A : vector<2000x256xf32>
    %swap3A_17 = arith.constant 0 : index
    %swap3A_18 = arith.constant 0 : index
    %swap3A_19 = vector.load %arg7[%swap3A_17, %swap3A_18] : memref<2000x256xf32, #tpu.memory_space<vmem>>, vector<2000x256xf32>
    tpu.vector_store %arg7[%swap3A_17, %swap3A_18], %add3A_16 {strides = array<i32>} : memref<2000x256xf32, #tpu.memory_space<vmem>>, vector<2000x256xf32>,
    return
  }
  func.func @transform_0(%arg0: i32, %arg1: i32) -> (i32, i32) {
    %c0_i32 = arith.constant 0 : i32
    %c0_i32_0 = arith.constant 0 : i32
    return %arg0, %c0_i32 : i32, i32
  }
  func.func @transform_1(%arg0: i32, %arg1: i32) -> (i32, i32) {
    %c0_i32 = arith.constant 0 : i32
    %c0_i32_0 = arith.constant 0 : i32
    return %c0_i32, %arg1 : i32, i32
  }
  func.func @transform_2(%arg0: i32, %arg1: i32) -> (i32, i32) {
    %c0_i32 = arith.constant 0 : i32
    %c0_i32_0 = arith.constant 0 : i32
    %c0_i32_1 = arith.constant 0 : i32
    return %c0_i32, %c0_i32_0 : i32, i32
  }
  func.func @transform_3(%arg0: i32, %arg1: i32) -> (i32, i32) {
    %c0_i32 = arith.constant 0 : i32
    %c0_i32_0 = arith.constant 0 : i32
    %c0_i32_1 = arith.constant 0 : i32
    return %c0_i32, %c0_i32_0 : i32, i32
  }
  func.func @transform_4(%arg0: i32, %arg1: i32) -> (i32, i32) {
    %mul3A = arith.constant 5 : i32
    %mul3A_0 = arith.muli %arg1, %mul3A : i32
    %add3A = arith.addi %mul3A_0, %arg0 : i32
    %c0_i32 = arith.constant 0 : i32
    %c0_i32_1 = arith.constant 0 : i32
    return %add3A, %c0_i32 : i32, i32
  }
  func.func @transform_5(%arg0: i32, %arg1: i32) -> (i32, i32) {
    %c0_i32 = arith.constant 0 : i32
    %c0_i32_0 = arith.constant 0 : i32
    return %arg0, %c0_i32 : i32, i32
  }
}

module attributes {stable_mosaic.version = 14 : i64} {
  func.func @_proj2_body(%arg0: i32, %arg1: i32, %arg2: memref<2000x128xf32, #tpu.memory_space<vmem>>, %arg3: memref<2000x128xf32, #tpu.memory_space<vmem>>, %arg4: memref<2000x16xf32, #tpu.memory_space<vmem>>, %arg5: memref<2000x256xf32, #tpu.memory_space<vmem>>, %arg6: memref<256x128xf32, #tpu.memory_space<vmem>>, %arg7: memref<256x256xf32, #tpu.memory_space<vmem>>, %arg8: memref<1x256xf32, #tpu.memory_space<vmem>>, %arg9: memref<2000x128xf32, #tpu.memory_space<vmem>>, %arg10: memref<2000x256xf32, #tpu.memory_space<vmem>>) attributes {dimension_semantics = [#tpu.dimension_semantics<arbitrary>, #tpu.dimension_semantics<arbitrary>], iteration_bounds = array<i64: 5, 2>, scalar_prefetch = 0 : i64, scratch_operands = 0 : i64, tpu.core_type = #tpu.core_type<tc>, window_params = [{transform_indices = @transform_0, window_bounds = array<i64: 2000, 128>}, {transform_indices = @transform_1, window_bounds = array<i64: 2000, 128>}, {transform_indices = @transform_2, window_bounds = array<i64: 2000, 16>}, {transform_indices = @transform_3, window_bounds = array<i64: 2000, 256>}, {transform_indices = @transform_4, window_bounds = array<i64: 256, 128>}, {pipeline_mode = #tpu.pipeline_mode<synchronous>, transform_indices = @transform_5, window_bounds = array<i64: 256, 256>}, {pipeline_mode = #tpu.pipeline_mode<synchronous>, transform_indices = @transform_6, window_bounds = array<i64: 1, 256>}, {transform_indices = @transform_7, window_bounds = array<i64: 2000, 128>}, {transform_indices = @transform_8, window_bounds = array<i64: 2000, 256>}]} {
    %get3A = arith.constant 0 : index
    %get3A_0 = arith.constant 0 : index
    %get3A_1 = vector.load %arg4[%get3A, %get3A_0] : memref<2000x16xf32, #tpu.memory_space<vmem>>, vector<2000x16xf32>
    %slice3A = vector.extract_strided_slice %get3A_1 {offsets = [0, 0], sizes = [2000, 1], strides = [1, 1]} : vector<2000x16xf32> to vector<2000x1xf32>
    %max3A = arith.constant 1.000000e+00 : f32
    %max3A_2 = vector.broadcast %max3A : f32 to vector<2000x1xf32>
    %max3A_3 = arith.maximumf %slice3A, %max3A_2 : vector<2000x1xf32>
    %get3A_4 = arith.constant 0 : index
    %get3A_5 = arith.constant 0 : index
    %get3A_6 = vector.load %arg2[%get3A_4, %get3A_5] : memref<2000x128xf32, #tpu.memory_space<vmem>>, vector<2000x128xf32>
    %get3A_7 = arith.constant 0 : index
    %get3A_8 = arith.constant 0 : index
    %get3A_9 = vector.load %arg3[%get3A_7, %get3A_8] : memref<2000x128xf32, #tpu.memory_space<vmem>>, vector<2000x128xf32>
    %concatenate3A = tpu.concatenate %get3A_6, %get3A_9 in 1 : vector<2000x128xf32>, vector<2000x128xf32> -> vector<2000x256xf32>
    %div3A = vector.broadcast %max3A_3 : vector<2000x1xf32> to vector<2000x256xf32>
    %div3A_10 = arith.divf %concatenate3A, %div3A : vector<2000x256xf32>
    %get3A_11 = arith.constant 0 : index
    %get3A_12 = arith.constant 0 : index
    %get3A_13 = vector.load %arg5[%get3A_11, %get3A_12] : memref<2000x256xf32, #tpu.memory_space<vmem>>, vector<2000x256xf32>
    %add3A = arith.addf %div3A_10, %get3A_13 : vector<2000x256xf32>
    %max3A_14 = arith.constant 0.000000e+00 : f32
    %max3A_15 = vector.broadcast %max3A_14 : f32 to vector<2000x256xf32>
    %max3A_16 = arith.maximumf %add3A, %max3A_15 : vector<2000x256xf32>
    %get3A_17 = arith.constant 0 : index
    %get3A_18 = arith.constant 0 : index
    %get3A_19 = vector.load %arg6[%get3A_17, %get3A_18] : memref<256x128xf32, #tpu.memory_space<vmem>>, vector<256x128xf32>
    %dot_general3A = arith.constant dense<0.000000e+00> : vector<2000x128xf32>
    %dot_general3A_20 = tpu.matmul %max3A_16, %get3A_19, %dot_general3A {dimension_numbers = #tpu.dot_dimension_numbers<[1], [0], [0], [1], [0, 0, 1, 1], [], []>, transpose_lhs_hint = false} : vector<2000x256xf32>, vector<256x128xf32>, vector<2000x128xf32> -> vector<2000x128xf32>
    %swap3A = arith.constant 0 : index
    %swap3A_21 = arith.constant 0 : index
    %swap3A_22 = vector.load %arg9[%swap3A, %swap3A_21] : memref<2000x128xf32, #tpu.memory_space<vmem>>, vector<2000x128xf32>
    tpu.vector_store %arg9[%swap3A, %swap3A_21], %dot_general3A_20 {strides = array<i32>} : memref<2000x128xf32, #tpu.memory_space<vmem>>, vector<2000x128xf32>,
    %get3A_23 = arith.constant 0 : index
    %get3A_24 = arith.constant 0 : index
    %get3A_25 = vector.load %arg7[%get3A_23, %get3A_24] : memref<256x256xf32, #tpu.memory_space<vmem>>, vector<256x256xf32>
    %dot_general3A_26 = arith.constant dense<0.000000e+00> : vector<2000x256xf32>
    %dot_general3A_27 = tpu.matmul %max3A_16, %get3A_25, %dot_general3A_26 {dimension_numbers = #tpu.dot_dimension_numbers<[1], [0], [0], [1], [0, 0, 1, 1], [], []>, transpose_lhs_hint = false} : vector<2000x256xf32>, vector<256x256xf32>, vector<2000x256xf32> -> vector<2000x256xf32>
    %get3A_28 = arith.constant 0 : index
    %get3A_29 = arith.constant 0 : index
    %get3A_30 = vector.load %arg8[%get3A_28, %get3A_29] : memref<1x256xf32, #tpu.memory_space<vmem>>, vector<1x256xf32>
    %add3A_31 = vector.broadcast %get3A_30 : vector<1x256xf32> to vector<2000x256xf32>
    %add3A_32 = arith.addf %dot_general3A_27, %add3A_31 : vector<2000x256xf32>
    %swap3A_33 = arith.constant 0 : index
    %swap3A_34 = arith.constant 0 : index
    %swap3A_35 = vector.load %arg10[%swap3A_33, %swap3A_34] : memref<2000x256xf32, #tpu.memory_space<vmem>>, vector<2000x256xf32>
    tpu.vector_store %arg10[%swap3A_33, %swap3A_34], %add3A_32 {strides = array<i32>} : memref<2000x256xf32, #tpu.memory_space<vmem>>, vector<2000x256xf32>,
    return
  }
  func.func @transform_0(%arg0: i32, %arg1: i32) -> (i32, i32) {
    %c0_i32 = arith.constant 0 : i32
    %c0_i32_0 = arith.constant 0 : i32
    return %arg0, %c0_i32 : i32, i32
  }
  func.func @transform_1(%arg0: i32, %arg1: i32) -> (i32, i32) {
    %add3A = arith.constant 5 : i32
    %add3A_0 = arith.addi %add3A, %arg0 : i32
    %c0_i32 = arith.constant 0 : i32
    %c0_i32_1 = arith.constant 0 : i32
    return %add3A_0, %c0_i32 : i32, i32
  }
  func.func @transform_2(%arg0: i32, %arg1: i32) -> (i32, i32) {
    %c0_i32 = arith.constant 0 : i32
    %c0_i32_0 = arith.constant 0 : i32
    return %arg0, %c0_i32 : i32, i32
  }
  func.func @transform_3(%arg0: i32, %arg1: i32) -> (i32, i32) {
    %c0_i32 = arith.constant 0 : i32
    %c0_i32_0 = arith.constant 0 : i32
    return %arg0, %c0_i32 : i32, i32
  }
  func.func @transform_4(%arg0: i32, %arg1: i32) -> (i32, i32) {
    %c0_i32 = arith.constant 0 : i32
    %c0_i32_0 = arith.constant 0 : i32
    return %c0_i32, %arg1 : i32, i32
  }
  func.func @transform_5(%arg0: i32, %arg1: i32) -> (i32, i32) {
    %c0_i32 = arith.constant 0 : i32
    %c0_i32_0 = arith.constant 0 : i32
    %c0_i32_1 = arith.constant 0 : i32
    return %c0_i32, %c0_i32_0 : i32, i32
  }
  func.func @transform_6(%arg0: i32, %arg1: i32) -> (i32, i32) {
    %c0_i32 = arith.constant 0 : i32
    %c0_i32_0 = arith.constant 0 : i32
    %c0_i32_1 = arith.constant 0 : i32
    return %c0_i32, %c0_i32_0 : i32, i32
  }
  func.func @transform_7(%arg0: i32, %arg1: i32) -> (i32, i32) {
    %mul3A = arith.constant 5 : i32
    %mul3A_0 = arith.muli %arg1, %mul3A : i32
    %add3A = arith.addi %mul3A_0, %arg0 : i32
    %c0_i32 = arith.constant 0 : i32
    %c0_i32_1 = arith.constant 0 : i32
    return %add3A, %c0_i32 : i32, i32
  }
  func.func @transform_8(%arg0: i32, %arg1: i32) -> (i32, i32) {
    %c0_i32 = arith.constant 0 : i32
    %c0_i32_0 = arith.constant 0 : i32
    return %arg0, %c0_i32 : i32, i32
  }
}

module attributes {stable_mosaic.version = 14 : i64} {
  func.func @_uv_body(%arg0: i32, %arg1: memref<2000x128xf32, #tpu.memory_space<vmem>>, %arg2: memref<2000x128xf32, #tpu.memory_space<vmem>>, %arg3: memref<2000x16xf32, #tpu.memory_space<vmem>>, %arg4: memref<2000x256xf32, #tpu.memory_space<vmem>>, %arg5: memref<256x256xf32, #tpu.memory_space<vmem>>, %arg6: memref<256x256xf32, #tpu.memory_space<vmem>>, %arg7: memref<1x256xf32, #tpu.memory_space<vmem>>, %arg8: memref<2000x256xf32, #tpu.memory_space<vmem>>, %arg9: memref<2000x256xf32, #tpu.memory_space<vmem>>) attributes {dimension_semantics = [#tpu.dimension_semantics<arbitrary>], iteration_bounds = array<i64: 5>, scalar_prefetch = 0 : i64, scratch_operands = 0 : i64, tpu.core_type = #tpu.core_type<tc>, window_params = [{transform_indices = @transform_0, window_bounds = array<i64: 2000, 128>}, {transform_indices = @transform_1, window_bounds = array<i64: 2000, 128>}, {transform_indices = @transform_2, window_bounds = array<i64: 2000, 16>}, {transform_indices = @transform_3, window_bounds = array<i64: 2000, 256>}, {pipeline_mode = #tpu.pipeline_mode<synchronous>, transform_indices = @transform_4, window_bounds = array<i64: 256, 256>}, {pipeline_mode = #tpu.pipeline_mode<synchronous>, transform_indices = @transform_5, window_bounds = array<i64: 256, 256>}, {pipeline_mode = #tpu.pipeline_mode<synchronous>, transform_indices = @transform_6, window_bounds = array<i64: 1, 256>}, {transform_indices = @transform_7, window_bounds = array<i64: 2000, 256>}, {transform_indices = @transform_8, window_bounds = array<i64: 2000, 256>}]} {
    %get3A = arith.constant 0 : index
    %get3A_0 = arith.constant 0 : index
    %get3A_1 = vector.load %arg3[%get3A, %get3A_0] : memref<2000x16xf32, #tpu.memory_space<vmem>>, vector<2000x16xf32>
    %slice3A = vector.extract_strided_slice %get3A_1 {offsets = [0, 0], sizes = [2000, 1], strides = [1, 1]} : vector<2000x16xf32> to vector<2000x1xf32>
    %max3A = arith.constant 1.000000e+00 : f32
    %max3A_2 = vector.broadcast %max3A : f32 to vector<2000x1xf32>
    %max3A_3 = arith.maximumf %slice3A, %max3A_2 : vector<2000x1xf32>
    %get3A_4 = arith.constant 0 : index
    %get3A_5 = arith.constant 0 : index
    %get3A_6 = vector.load %arg1[%get3A_4, %get3A_5] : memref<2000x128xf32, #tpu.memory_space<vmem>>, vector<2000x128xf32>
    %get3A_7 = arith.constant 0 : index
    %get3A_8 = arith.constant 0 : index
    %get3A_9 = vector.load %arg2[%get3A_7, %get3A_8] : memref<2000x128xf32, #tpu.memory_space<vmem>>, vector<2000x128xf32>
    %concatenate3A = tpu.concatenate %get3A_6, %get3A_9 in 1 : vector<2000x128xf32>, vector<2000x128xf32> -> vector<2000x256xf32>
    %div3A = vector.broadcast %max3A_3 : vector<2000x1xf32> to vector<2000x256xf32>
    %div3A_10 = arith.divf %concatenate3A, %div3A : vector<2000x256xf32>
    %get3A_11 = arith.constant 0 : index
    %get3A_12 = arith.constant 0 : index
    %get3A_13 = vector.load %arg4[%get3A_11, %get3A_12] : memref<2000x256xf32, #tpu.memory_space<vmem>>, vector<2000x256xf32>
    %add3A = arith.addf %div3A_10, %get3A_13 : vector<2000x256xf32>
    %get3A_14 = arith.constant 0 : index
    %get3A_15 = arith.constant 0 : index
    %get3A_16 = vector.load %arg5[%get3A_14, %get3A_15] : memref<256x256xf32, #tpu.memory_space<vmem>>, vector<256x256xf32>
    %dot_general3A = arith.constant dense<0.000000e+00> : vector<2000x256xf32>
    %dot_general3A_17 = tpu.matmul %add3A, %get3A_16, %dot_general3A {dimension_numbers = #tpu.dot_dimension_numbers<[1], [0], [0], [1], [0, 0, 1, 1], [], []>, transpose_lhs_hint = false} : vector<2000x256xf32>, vector<256x256xf32>, vector<2000x256xf32> -> vector<2000x256xf32>
    %get3A_18 = arith.constant 0 : index
    %get3A_19 = arith.constant 0 : index
    %get3A_20 = vector.load %arg7[%get3A_18, %get3A_19] : memref<1x256xf32, #tpu.memory_space<vmem>>, vector<1x256xf32>
    %add3A_21 = vector.broadcast %get3A_20 : vector<1x256xf32> to vector<2000x256xf32>
    %add3A_22 = arith.addf %dot_general3A_17, %add3A_21 : vector<2000x256xf32>
    %swap3A = arith.constant 0 : index
    %swap3A_23 = arith.constant 0 : index
    %swap3A_24 = vector.load %arg8[%swap3A, %swap3A_23] : memref<2000x256xf32, #tpu.memory_space<vmem>>, vector<2000x256xf32>
    tpu.vector_store %arg8[%swap3A, %swap3A_23], %add3A_22 {strides = array<i32>} : memref<2000x256xf32, #tpu.memory_space<vmem>>, vector<2000x256xf32>,
    %get3A_25 = arith.constant 0 : index
    %get3A_26 = arith.constant 0 : index
    %get3A_27 = vector.load %arg6[%get3A_25, %get3A_26] : memref<256x256xf32, #tpu.memory_space<vmem>>, vector<256x256xf32>
    %dot_general3A_28 = arith.constant dense<0.000000e+00> : vector<2000x256xf32>
    %dot_general3A_29 = tpu.matmul %add3A, %get3A_27, %dot_general3A_28 {dimension_numbers = #tpu.dot_dimension_numbers<[1], [0], [0], [1], [0, 0, 1, 1], [], []>, transpose_lhs_hint = false} : vector<2000x256xf32>, vector<256x256xf32>, vector<2000x256xf32> -> vector<2000x256xf32>
    %swap3A_30 = arith.constant 0 : index
    %swap3A_31 = arith.constant 0 : index
    %swap3A_32 = vector.load %arg9[%swap3A_30, %swap3A_31] : memref<2000x256xf32, #tpu.memory_space<vmem>>, vector<2000x256xf32>
    tpu.vector_store %arg9[%swap3A_30, %swap3A_31], %dot_general3A_29 {strides = array<i32>} : memref<2000x256xf32, #tpu.memory_space<vmem>>, vector<2000x256xf32>,
    return
  }
  func.func @transform_0(%arg0: i32) -> (i32, i32) {
    %c0_i32 = arith.constant 0 : i32
    %c0_i32_0 = arith.constant 0 : i32
    return %arg0, %c0_i32 : i32, i32
  }
  func.func @transform_1(%arg0: i32) -> (i32, i32) {
    %add3A = arith.constant 5 : i32
    %add3A_0 = arith.addi %add3A, %arg0 : i32
    %c0_i32 = arith.constant 0 : i32
    %c0_i32_1 = arith.constant 0 : i32
    return %add3A_0, %c0_i32 : i32, i32
  }
  func.func @transform_2(%arg0: i32) -> (i32, i32) {
    %c0_i32 = arith.constant 0 : i32
    %c0_i32_0 = arith.constant 0 : i32
    return %arg0, %c0_i32 : i32, i32
  }
  func.func @transform_3(%arg0: i32) -> (i32, i32) {
    %c0_i32 = arith.constant 0 : i32
    %c0_i32_0 = arith.constant 0 : i32
    return %arg0, %c0_i32 : i32, i32
  }
  func.func @transform_4(%arg0: i32) -> (i32, i32) {
    %c0_i32 = arith.constant 0 : i32
    %c0_i32_0 = arith.constant 0 : i32
    %c0_i32_1 = arith.constant 0 : i32
    return %c0_i32, %c0_i32_0 : i32, i32
  }
  func.func @transform_5(%arg0: i32) -> (i32, i32) {
    %c0_i32 = arith.constant 0 : i32
    %c0_i32_0 = arith.constant 0 : i32
    %c0_i32_1 = arith.constant 0 : i32
    return %c0_i32, %c0_i32_0 : i32, i32
  }
  func.func @transform_6(%arg0: i32) -> (i32, i32) {
    %c0_i32 = arith.constant 0 : i32
    %c0_i32_0 = arith.constant 0 : i32
    %c0_i32_1 = arith.constant 0 : i32
    return %c0_i32, %c0_i32_0 : i32, i32
  }
  func.func @transform_7(%arg0: i32) -> (i32, i32) {
    %c0_i32 = arith.constant 0 : i32
    %c0_i32_0 = arith.constant 0 : i32
    return %arg0, %c0_i32 : i32, i32
  }
  func.func @transform_8(%arg0: i32) -> (i32, i32) {
    %c0_i32 = arith.constant 0 : i32
    %c0_i32_0 = arith.constant 0 : i32
    return %arg0, %c0_i32 : i32, i32
  }
}

module attributes {stable_mosaic.version = 14 : i64} {
  func.func @_mlp_body(%arg0: i32, %arg1: memref<2000x256xf32, #tpu.memory_space<vmem>>, %arg2: memref<2000x256xf32, #tpu.memory_space<vmem>>, %arg3: memref<2000x16xf32, #tpu.memory_space<vmem>>, %arg4: memref<16x256xf32, #tpu.memory_space<vmem>>, %arg5: memref<256x128xf32, #tpu.memory_space<vmem>>, %arg6: memref<1x128xf32, #tpu.memory_space<vmem>>, %arg7: memref<128x1xf32, #tpu.memory_space<vmem>>, %arg8: memref<1x1xf32, #tpu.memory_space<vmem>>, %arg9: memref<2000x1xf32, #tpu.memory_space<vmem>>) attributes {dimension_semantics = [#tpu.dimension_semantics<arbitrary>], iteration_bounds = array<i64: 80>, scalar_prefetch = 0 : i64, scratch_operands = 0 : i64, tpu.core_type = #tpu.core_type<tc>, window_params = [{transform_indices = @transform_0, window_bounds = array<i64: 2000, 256>}, {transform_indices = @transform_1, window_bounds = array<i64: 2000, 256>}, {transform_indices = @transform_2, window_bounds = array<i64: 2000, 16>}, {pipeline_mode = #tpu.pipeline_mode<synchronous>, transform_indices = @transform_3, window_bounds = array<i64: 16, 256>}, {pipeline_mode = #tpu.pipeline_mode<synchronous>, transform_indices = @transform_4, window_bounds = array<i64: 256, 128>}, {pipeline_mode = #tpu.pipeline_mode<synchronous>, transform_indices = @transform_5, window_bounds = array<i64: 1, 128>}, {pipeline_mode = #tpu.pipeline_mode<synchronous>, transform_indices = @transform_6, window_bounds = array<i64: 128, 1>}, {pipeline_mode = #tpu.pipeline_mode<synchronous>, transform_indices = @transform_7, window_bounds = array<i64: 1, 1>}, {transform_indices = @transform_8, window_bounds = array<i64: 2000, 1>}]} {
    %get3A = arith.constant 0 : index
    %get3A_0 = arith.constant 0 : index
    %get3A_1 = vector.load %arg1[%get3A, %get3A_0] : memref<2000x256xf32, #tpu.memory_space<vmem>>, vector<2000x256xf32>
    %get3A_2 = arith.constant 0 : index
    %get3A_3 = arith.constant 0 : index
    %get3A_4 = vector.load %arg2[%get3A_2, %get3A_3] : memref<2000x256xf32, #tpu.memory_space<vmem>>, vector<2000x256xf32>
    %add3A = arith.addf %get3A_1, %get3A_4 : vector<2000x256xf32>
    %get3A_5 = arith.constant 0 : index
    %get3A_6 = arith.constant 0 : index
    %get3A_7 = vector.load %arg3[%get3A_5, %get3A_6] : memref<2000x16xf32, #tpu.memory_space<vmem>>, vector<2000x16xf32>
    %get3A_8 = arith.constant 0 : index
    %get3A_9 = arith.constant 0 : index
    %get3A_10 = vector.load %arg4[%get3A_8, %get3A_9] : memref<16x256xf32, #tpu.memory_space<vmem>>, vector<16x256xf32>
    %dot_general3A = arith.constant dense<0.000000e+00> : vector<2000x256xf32>
    %dot_general3A_11 = tpu.matmul %get3A_7, %get3A_10, %dot_general3A {dimension_numbers = #tpu.dot_dimension_numbers<[1], [0], [0], [1], [0, 0, 1, 1], [], []>, transpose_lhs_hint = false} : vector<2000x16xf32>, vector<16x256xf32>, vector<2000x256xf32> -> vector<2000x256xf32>
    %add3A_12 = arith.addf %add3A, %dot_general3A_11 : vector<2000x256xf32>
    %max3A = arith.constant 0.000000e+00 : f32
    %max3A_13 = vector.broadcast %max3A : f32 to vector<2000x256xf32>
    %max3A_14 = arith.maximumf %add3A_12, %max3A_13 : vector<2000x256xf32>
    %get3A_15 = arith.constant 0 : index
    %get3A_16 = arith.constant 0 : index
    %get3A_17 = vector.load %arg5[%get3A_15, %get3A_16] : memref<256x128xf32, #tpu.memory_space<vmem>>, vector<256x128xf32>
    %dot_general3A_18 = arith.constant dense<0.000000e+00> : vector<2000x128xf32>
    %dot_general3A_19 = tpu.matmul %max3A_14, %get3A_17, %dot_general3A_18 {dimension_numbers = #tpu.dot_dimension_numbers<[1], [0], [0], [1], [0, 0, 1, 1], [], []>, transpose_lhs_hint = false} : vector<2000x256xf32>, vector<256x128xf32>, vector<2000x128xf32> -> vector<2000x128xf32>
    %get3A_20 = arith.constant 0 : index
    %get3A_21 = arith.constant 0 : index
    %get3A_22 = vector.load %arg6[%get3A_20, %get3A_21] : memref<1x128xf32, #tpu.memory_space<vmem>>, vector<1x128xf32>
    %add3A_23 = vector.broadcast %get3A_22 : vector<1x128xf32> to vector<2000x128xf32>
    %add3A_24 = arith.addf %dot_general3A_19, %add3A_23 : vector<2000x128xf32>
    %max3A_25 = arith.constant 0.000000e+00 : f32
    %max3A_26 = vector.broadcast %max3A_25 : f32 to vector<2000x128xf32>
    %max3A_27 = arith.maximumf %add3A_24, %max3A_26 : vector<2000x128xf32>
    %get3A_28 = arith.constant 0 : index
    %get3A_29 = arith.constant 0 : index
    %get3A_30 = vector.load %arg7[%get3A_28, %get3A_29] : memref<128x1xf32, #tpu.memory_space<vmem>>, vector<128x1xf32>
    %dot_general3A_31 = arith.constant dense<0.000000e+00> : vector<2000x1xf32>
    %dot_general3A_32 = tpu.matmul %max3A_27, %get3A_30, %dot_general3A_31 {dimension_numbers = #tpu.dot_dimension_numbers<[1], [0], [0], [1], [0, 0, 1, 1], [], []>, transpose_lhs_hint = false} : vector<2000x128xf32>, vector<128x1xf32>, vector<2000x1xf32> -> vector<2000x1xf32>
    %get3A_33 = arith.constant 0 : index
    %get3A_34 = arith.constant 0 : index
    %get3A_35 = vector.load %arg8[%get3A_33, %get3A_34] : memref<1x1xf32, #tpu.memory_space<vmem>>, vector<1x1xf32>
    %add3A_36 = vector.broadcast %get3A_35 : vector<1x1xf32> to vector<2000x1xf32>
    %add3A_37 = arith.addf %dot_general3A_32, %add3A_36 : vector<2000x1xf32>
    %swap3A = arith.constant 0 : index
    %swap3A_38 = arith.constant 0 : index
    %swap3A_39 = vector.load %arg9[%swap3A, %swap3A_38] : memref<2000x1xf32, #tpu.memory_space<vmem>>, vector<2000x1xf32>
    tpu.vector_store %arg9[%swap3A, %swap3A_38], %add3A_37 {strides = array<i32>} : memref<2000x1xf32, #tpu.memory_space<vmem>>, vector<2000x1xf32>,
    return
  }
  func.func @transform_0(%arg0: i32) -> (i32, i32) {
    %c0_i32 = arith.constant 0 : i32
    %c0_i32_0 = arith.constant 0 : i32
    return %arg0, %c0_i32 : i32, i32
  }
  func.func @transform_1(%arg0: i32) -> (i32, i32) {
    %c0_i32 = arith.constant 0 : i32
    %c0_i32_0 = arith.constant 0 : i32
    return %arg0, %c0_i32 : i32, i32
  }
  func.func @transform_2(%arg0: i32) -> (i32, i32) {
    %c0_i32 = arith.constant 0 : i32
    %c0_i32_0 = arith.constant 0 : i32
    return %arg0, %c0_i32 : i32, i32
  }
  func.func @transform_3(%arg0: i32) -> (i32, i32) {
    %c0_i32 = arith.constant 0 : i32
    %c0_i32_0 = arith.constant 0 : i32
    %c0_i32_1 = arith.constant 0 : i32
    return %c0_i32, %c0_i32_0 : i32, i32
  }
  func.func @transform_4(%arg0: i32) -> (i32, i32) {
    %c0_i32 = arith.constant 0 : i32
    %c0_i32_0 = arith.constant 0 : i32
    %c0_i32_1 = arith.constant 0 : i32
    return %c0_i32, %c0_i32_0 : i32, i32
  }
  func.func @transform_5(%arg0: i32) -> (i32, i32) {
    %c0_i32 = arith.constant 0 : i32
    %c0_i32_0 = arith.constant 0 : i32
    %c0_i32_1 = arith.constant 0 : i32
    return %c0_i32, %c0_i32_0 : i32, i32
  }
  func.func @transform_6(%arg0: i32) -> (i32, i32) {
    %c0_i32 = arith.constant 0 : i32
    %c0_i32_0 = arith.constant 0 : i32
    %c0_i32_1 = arith.constant 0 : i32
    return %c0_i32, %c0_i32_0 : i32, i32
  }
  func.func @transform_7(%arg0: i32) -> (i32, i32) {
    %c0_i32 = arith.constant 0 : i32
    %c0_i32_0 = arith.constant 0 : i32
    %c0_i32_1 = arith.constant 0 : i32
    return %c0_i32, %c0_i32_0 : i32, i32
  }
  func.func @transform_8(%arg0: i32) -> (i32, i32) {
    %c0_i32 = arith.constant 0 : i32
    %c0_i32_0 = arith.constant 0 : i32
    return %arg0, %c0_i32 : i32, i32
  }
}

</mosaic_0001>

<sc_bundles>
// kernel: kernel.12.cloned.1.call-start
scs
__scs_entry_jumppad:
0x0: {  	(pc) =	sbr.rel $0x88, $3  }
0x1: {  	(tag) =	ssettag $0x0;
	lr =	simm.s32 $0x1  }
0x2: {  	[smem:$0x3F91] =	sst lr;
	_ =	strace $0xD0000000  }
0x3: {  	_ = 	snop  }
0x4: {  	_ = 	snop  }
0x5: {  	_ = 	snop  }
0x6: {  	_ = 	snop  }
0x7: {  	_ = 	snop  }
__scs_overlays_trampoline_lowered:
0x8: {  	[smem:$0x3FA0] =	sst s0  }
0x9: {  	[smem:$0x3FA1] =	sst s1  }
0xa: {  	[smem:$0x3FA2] =	sst s2  }
0xb: {  	[smem:$0x3FA3] =	sst s3  }
0xc: {  	[smem:$0x3FA4] =	sst s4  }
0xd: {  	[smem:$0x3FA5] =	sst s5  }
0xe: {  	[smem:$0x3FA6] =	sst s6  }
0xf: {  	[smem:$0x3FA7] =	sst s7  }
0x10: {  	[smem:$0x3FA8] =	sst s8  }
0x11: {  	[smem:$0x3FA9] =	sst s9;
	s0 =	simm.s32 @!p0 $0x0  }
0x12: {  	s1 =	sld [smem:$0x3F8F];
	s0 =	simm.s32 @p0 $0x1  }
0x13: {  	[smem:$0x3FAA] =	sst s0;
	s0 =	simm.s32 @!p1 $0x0  }
0x14: {  	s2 =	sld [smem:$0x3F8E];
	s0 =	simm.s32 @p1 $0x1  }
0x15: {  	[smem:$0x3FAB] =	sst s0;
	s0 =	simm.s32 @!p2 $0x0  }
0x16: {  	s3 =	sld [smem:$0x3FDB];
	s0 =	simm.s32 @p2 $0x1  }
0x17: {  	s4 =	simm.s32 $0x1BF5;
	[smem:$0x3FAD] =	sst s0  }
0x18: {  	s0 =	sld [smem:$0x3F90];
	_ =	swait.ge [sflag:s4], $0x0  }
0x19: {  	s7 =	sld [smem:$0x3F91]  }
0x1a: {  	s8 =	sadd.s32 $0xFFFFE003, lr  }
0x1b: {  	s9 =	sadd.s32 $0xFFFFFEF7, lr;
	s5 =	simm.s32 $0xFFFFFFFF;
	p2 =	slt.u32 s8, $0xFFFFF086  }
0x1c: {  	p1 =	slt.u32 s9, $0xF7A;
	s5 =	simm.s32 @!p2 $0x0  }
0x1d: {  	s5 =	simm.s32 @p1 $0x1;
	p0 =	seq.s32 s7, s2  }
0x1e: {  	s7 =	smul.u32 @!p0 $0xF7A, s2;
	p2 =	seq.s32 @!p0 s5, $0x0  }
0x1f: {  	s9 =	smul.u32 $0xF7A, s1;
	s8 =	simm.s32 @!p0 $0x1BF5;
	p2 =	por !p2, p0  }
0x20: {  	[sflag:s8] =	ssyncset.s32 @!p0 $0xFFFFF086;
	s6 =	sadd.s32 @!p0 s3, s7;
	s7 =	simm.s32 @!p0 $0x108  }
0x21: {  	s3 =	sadd.s32 s3, s9;
	s6 =	sadd.s32 @!p0 $0x88, s6;
	s7 =	simm.s32 @p2 $0x1082  }
0x22: {  	[simem:s7], [sflag:s8] =	dma.local @!p0 [hbm:s6], $0xF7A  }
0x23: {  	s9 =	sor.u32 $0xD0000000, s2;
	s6 =	simm.s32 $0x108;
	_ =	swait.ge @!p0 [sflag:s8], $0x0  }
0x24: {  	s3 =	sadd.s32 $0x88, s3;
	s6 =	simm.s32 @!p1 $0x1082;
	[sflag:s4] =	ssyncset.s32 $0xFFFFF086  }
0x25: {  	[simem:s6], [sflag:s4] =	dma.local [hbm:s3], $0xF7A  }
0x26: {  	[smem:$0x3F91] =	sst s1;
	(tag) =	ssettag s2;
	_ =	strace s9  }
0x27: {  	s1 =	sld [smem:$0x3FA1]  }
0x28: {  	s2 =	sld [smem:$0x3FA2]  }
0x29: {  	s4 =	sld [smem:$0x3FA4]  }
0x2a: {  	p0 =	seq.s32 s5, $0x0;
	s5 =	sld [smem:$0x3FA5]  }
0x2b: {  	s6 =	sld [smem:$0x3FA6]  }
0x2c: {  	s7 =	sld [smem:$0x3FA7]  }
0x2d: {  	s3 =	simm.s32 $0x108;
	s8 =	sld [smem:$0x3FA8]  }
0x2e: {  	s3 =	simm.s32 @!p0 $0x1082;
	s9 =	sld [smem:$0x3FA9]  }
0x2f: {  	lr =	sadd.s32 s0, s3;
	s0 =	sld [smem:$0x3FA0]  }
0x30: {  	s3 =	sld [smem:$0x3FA3]  }
0x31: {  	[smem:$0x3FAC] =	sst s10  }
0x32: {  	s10 =	sld [smem:$0x3FAA];
	_ =	sdelay $0x3  }
0x33: {  	p0 =	seq.s32 s10, $0x1;
	s10 =	sld [smem:$0x3FAC];
	_ =	sdelay $0x3  }
0x34: {  	[smem:$0x3FAC] =	sst s10  }
0x35: {  	s10 =	sld [smem:$0x3FAB];
	_ =	sdelay $0x3  }
0x36: {  	p1 =	seq.s32 s10, $0x1;
	s10 =	sld [smem:$0x3FAC];
	_ =	sdelay $0x3  }
0x37: {  	[smem:$0x3FAC] =	sst s10  }
0x38: {  	s10 =	sld [smem:$0x3FAD]  }
0x39: {  	_ = 	snop;
	(pc) =	sbr.ind lr, $3  }
0x3a: {  	_ = 	snop  }
0x3b: {  	_ = 	snop  }
0x3c: {  	p2 =	seq.s32 s10, $0x1;
	s10 =	sld [smem:$0x3FAC]  }
0x3d: {  	_ =	shalt  }
0x3e: {  	_ =	shalt  }
0x3f: {  	_ =	shalt  }
0x40: {  	_ =	shalt  }
0x41: {  	_ =	shalt  }
0x42: {  	_ =	shalt  }
0x43: {  	_ =	shalt  }
0x44: {  	_ =	shalt  }
0x45: {  	_ =	shalt  }
0x46: {  	_ =	shalt  }
0x47: {  	_ =	shalt  }
0x48: {  	_ =	shalt  }
0x49: {  	_ =	shalt  }
0x4a: {  	_ =	shalt  }
0x4b: {  	_ =	shalt  }
0x4c: {  	_ =	shalt  }
0x4d: {  	_ =	shalt  }
0x4e: {  	_ =	shalt  }
0x4f: {  	_ =	shalt  }
0x50: {  	_ =	shalt  }
0x51: {  	_ =	shalt  }
0x52: {  	_ =	shalt  }
0x53: {  	_ =	shalt  }
0x54: {  	_ =	shalt  }
0x55: {  	_ =	shalt  }
0x56: {  	_ =	shalt  }
0x57: {  	_ =	shalt  }
0x58: {  	_ =	shalt  }
0x59: {  	_ =	shalt  }
0x5a: {  	_ =	shalt  }
0x5b: {  	_ =	shalt  }
0x5c: {  	_ =	shalt  }
0x5d: {  	_ =	shalt  }
0x5e: {  	_ =	shalt  }
0x5f: {  	_ =	shalt  }
0x60: {  	_ =	shalt  }
0x61: {  	_ =	shalt  }
0x62: {  	_ =	shalt  }
0x63: {  	_ =	shalt  }
0x64: {  	_ =	shalt  }
0x65: {  	_ =	shalt  }
0x66: {  	_ =	shalt  }
0x67: {  	_ =	shalt  }
0x68: {  	_ =	shalt  }
0x69: {  	_ =	shalt  }
0x6a: {  	_ =	shalt  }
0x6b: {  	_ =	shalt  }
0x6c: {  	_ =	shalt  }
0x6d: {  	_ =	shalt  }
0x6e: {  	_ =	shalt  }
0x6f: {  	_ =	shalt  }
0x70: {  	_ =	shalt  }
0x71: {  	_ =	shalt  }
0x72: {  	_ =	shalt  }
0x73: {  	_ =	shalt  }
0x74: {  	_ =	shalt  }
0x75: {  	_ =	shalt  }
0x76: {  	_ =	shalt  }
0x77: {  	_ =	shalt  }
0x78: {  	_ =	shalt  }
0x79: {  	_ =	shalt  }
0x7a: {  	_ =	shalt  }
0x7b: {  	_ =	shalt  }
0x7c: {  	_ =	shalt  }
0x7d: {  	_ =	shalt  }
0x7e: {  	_ =	shalt  }
0x7f: {  	_ =	shalt  }
0x80: {  	_ =	shalt  }
0x81: {  	_ =	shalt  }
0x82: {  	_ =	shalt  }
0x83: {  	_ =	shalt  }
0x84: {  	_ =	shalt  }
0x85: {  	_ =	shalt  }
0x86: {  	_ =	shalt  }
0x87: {  	_ =	shalt  }
.Lfunc_end0:
.L_simem_size_0:
called_computation.1_lowered:
.L_overlay_start_0:
0x88: {  	s2 =	sld [smem:$0x3FD9]  }
0x89: {  	s3 =	sld [smem:$0x3FFE];
	_ =	sdelay $0x1  }
0x8a: {  	s1 =	srdreg.scid  }
0x8b: {  	s0 =	sand.u32 $0x1, s1  }
0x8c: {  	s16 =	sshll.u32 s0, $0xA;
	s2 =	sadd.s32 s3, s2  }
0x8d: {  	s2 =	sadd.s32 s2, s16  }
0x8e: {  	[smem:$0x3FB8] =	sst s2  }
0x8f: {  	_ = 	snop  }
0x90: {  	(tm) =	ssettm $0x1  }
0x91: {  	s17 =	sld [smem:$0x3FFB];
	_ =	sdelay $0x3  }
0x92: {  	_ =	strace s17  }
0x93: {  	s2 =	sld [smem:$0x3FFC];
	_ =	sdelay $0x3  }
0x94: {  	_ =	strace s2  }
0x95: {  	s2 =	sld [smem:$0x3FFD];
	_ =	sdelay $0x3  }
0x96: {  	_ =	strace s2  }
0x97: {  	_ =	strace $0x8FFFFFFF  }
0x98: {  	s18 =	sld [smem:$0x3FDB];
	_ =	sdelay $0x1  }
0x99: {  	s19 =	simm.s32 $_scs_section_size  }
0x9a: {  	s4 =	simm.s32 $_size__tile_overlayer_lowered;
	s5 =	simm.s32 $_tile_overlayer_lowered  }
0x9b: {  	s22 =	simm.s32 $0x1BFF;
	s21 =	sshll.u32 s5, $0x1;
	s2 =	sadd.s32 s19, s18  }
0x9c: {  	s6 =	simm.s32 $0x0;
	s20 =	sshll.u32 s4, $0x1;
	s4 =	sadd.s32 s21, s2  }
0x9d: {  	[timem:s6], [sflag:s22] =	dma.local [hbm:s4], s20  }
0x9e: {  	_ =	swait.ge [sflag:s22], s20  }
0x9f: {  	s3 =	ssub.s32 $0x0, s20;
	[sflag:s22] =	ssyncset.done $0x0  }
0xa0: {  	[sflag:s22] =	ssyncadd.s32 s3;
	_ =	sdelay $0x1  }
0xa1: {  	s23 =	simm.s32 $0x1B8B  }
0xa2: {  	_ =	swait.ge [sflag:s23], $0x1  }
0xa3: {  	[sflag:s23] =	ssyncset.done $0x0  }
0xa4: {  	s25 =	simm.s32 $0x1B8E;
	s24 =	sld [smem:$0x3FFE];
	[sflag:s23] =	ssyncadd.s32 $0xFFFFFFFF  }
0xa5: {  	s26 =	simm.s32 $execute0_lowered;
	[smem:$0x3FD2] =	sst s25  }
0xa6: {  	s4 =	sshll.u32 s26, $0x1;
	_ =	strace $0x80000049;
	[dreg:$0x1] =	wrdreg $0xFFFFFFFF  }
0xa7: {  	s28 =	simm.s32 $_size_execute0_lowered;
	s2 =	sadd.s32 s2, s4;
	[dreg:$0x0] =	wrdreg $0x0  }
0xa8: {  	s4 =	sshll.u32 s28, $0x1;
	[dreg:$0x2] =	wrdreg s2  }
0xa9: {  	[dreg:$0x3] =	wrdreg s4  }
0xaa: {  	[dreg:$0x4] =	wrdreg $0xC0  }
0xab: {  	_ =	task [dreg:s6], $0x5FFFF  }
0xac: {  	[dreg:$0x1] =	wrdreg $0xFFFFFFFF  }
0xad: {  	[dreg:$0x0] =	wrdreg $0x60  }
0xae: {  	[dreg:$0x2] =	wrdreg s24  }
0xaf: {  	[dreg:$0x3] =	wrdreg $0x0  }
0xb0: {  	[dreg:$0x4] =	wrdreg $0x9  }
0xb1: {  	_ =	task.clear_ibuf [dreg:s6], $0x5FFFF;
	_ =	strace $0x90000049  }
0xb2: {  	s29 =	simm.s32 $0x9;
	_ =	strace $0x8000004B  }
0xb3: {  	_ =	swait.ge [sflag:s29], $0x1  }
0xb4: {  	[sflag:s29] =	ssyncadd.s32 $0xFFFFFFFF  }
0xb5: {  	_ =	strace $0x9000004B  }
0xb6: {  	_ =	sfence  }
0xb7: {  	s30 =	sld [smem:$0x0];
	_ =	sdelay $0x2  }
0xb8: {  	s31 =	sshll.u32 s1, $0xD;
	s1 =	sshrl.u32 s1, $0x2  }
0xb9: {  	s3 =	sand.u32 $0x4000, s31;
	s1 =	sadd.s32 s1, s30  }
0xba: {  	s0 =	sor.u32 s3, s0;
	s1 =	sshll.u32 s1, $0x11  }
0xbb: {  	s0 =	sor.u32 s1, s0  }
0xbc: {  	s0 =	sadd.s32 $0x8F2B, s0  }
0xbd: {  	[sflag:s0] =	ssyncadd.remote.s32 $0x1  }
0xbe: {  	_ =	sfence.sel $0xFFFF  }
0xbf: {  	[dreg:$0x0] =	wrdreg $0xFFFFFFFF;
	(pc) =	sbr.abs _section_cstart, $3  }
0xc0: {  	[dreg:$0x1] =	wrdreg $0xFFFFFFFF  }
0xc1: {  	_ =	task.clear_ibuf [dreg:s6], $0x2FFFF;
	_ =	strace $0x9FFFFFFF  }
0xc2: {  	(tm) =	ssettm $0x7FFFFFFF  }
0xc3: {  	_ =	shalt  }
tec
execute0_lowered:
.L_overlay_start_1:
0x0: {  	(tag) =	ssettag $0x1  }
0x1: {  	s5 =	rddreg [dreg:$0x0]  }
0x2: {  	s2 =	rddreg [dreg:$0x1];
	s1 =	stileid.u32  }
0x3: {  	s0 =	rddreg [dreg:$0x2];
	s4 =	srdreg.scid;
	s3 =	simm.s32 $0x0  }
0x4: {  	s13 =	simm.s32 $0x13880;
	s14 =	simm.s32 $0x13A10;
	s6 =	smul.u32 $0x4E2, s1  }
0x5: {  	s15 =	simm.s32 $0xC8;
	s17 =	simm.s32 $0x13AD8;
	s7 =	smul.u32 $0x13880, s1  }
0x6: {  	s18 =	simm.s32 $0x0;
	s8 =	sand.u32 $0x1, s4;
	s9 =	smul.u32 $0x271, s1  }
0x7: {  	[smem:$0x7FF] =	sst s3;
	s4 =	sadd.s32 $0x5B800, s5;
	s31 =	sshll.u32 s1, $0x6  }
0x8: {  	s16 =	smul.u32 $0x2710, s8;
	_ =	strace $0x8000004A;
	s8 =	ssub.s32 $0x2, s8  }
0x9: {  	s10 =	sadd.s32 s6, s5;
	s30 =	sshrl.u32 s7, $0x3;
	s11 =	sshrl.u32 s8, $0x1  }
0xa: {  	s12 =	sadd.s32 s7, s2;
	s9 =	sadd.s32 s9, s16;
	s6 =	sadd.s32 s30, s5  }
0xb: {  	s8 =	ssub.s32 s8, s11;
	s11 =	sshrl.u32 s12, $0x3;
	s12 =	simm.s32 $0x1  }
0xc: {  	v0 =	vmov s16;
	s16 =	simm.s32 $0x13948;
	s9 =	sshll.u32 s9, $0x4;
	s8 =	smax.u32 s8, $0x1  }
0xd: {  	s9 =	sadd.s32 s9, s5;
	s5 =	sadd.s32 $0xAEA00, s6;
	s6 =	sor.u32 $0x1C01, s31  }
0xe: {  	s7 =	sadd.s32 $0xFCC00, s9;
	s9 =	sadd.s32 $0x3600, s10;
	s10 =	sadd.s32 $0x8600, s10  }
.LBB2_1:
0xf: {  	[spmem:s11], [sflag:s6] =	dma.local [hbm:s5], $0x2710  }
0x10: {  	_ =	swait.ge [sflag:s12], $0x2710  }
0x11: {  	[sflag:s12] =	ssyncset.done $0x0  }
0x12: {  	[sflag:s12] =	ssyncadd.s32 $0xFFFFD8F0  }
0x13: {  	s19 =	sadd.s32 $0x0, s10;
	[bflag:$0x0] =	sbarrier.arrive $0xFFFF  }
0x14: {  	[tilespmem:s13], [sflag:$0x1] =	stream.linear.gather [hbm4b:s19+s3], $0xC8, $0x38;
	[tilespmem:$0x19ED8] =	vst v63  }
0x15: {  	_ =	swait.ge [sflag:s12], $0xC8  }
0x16: {  	[sflag:s12] =	ssyncset.done $0x0  }
0x17: {  	s31 =	sadd.s32 $0x0, s9;
	[sflag:s12] =	ssyncadd.s32 $0xFFFFFF38  }
0x18: {  	[tilespmem:s14], [sflag:$0x1] =	stream.linear.gather [hbm4b:s31+s3], $0xC8, $0x38;
	[tilespmem:$0x19ED8] =	vst v63  }
0x19: {  	_ =	swait.ge [sflag:s12], $0xC8  }
0x1a: {  	[sflag:s12] =	ssyncset.done $0x0  }
0x1b: {  	[sflag:s12] =	ssyncadd.s32 $0xFFFFFF38  }
0x1c: {  	v4 =	vld [tilespmem:$0x138A0]  }
0x1d: {  	v5 =	vld [tilespmem:$0x138C0]  }
0x1e: {  	v1 =	vld [tilespmem:$0x138B0]  }
0x1f: {  	v3 =	vld [tilespmem:$0x13890]  }
0x20: {  	s20 =	simm.s32 $0x32;
	s19 =	simm.s32 $0x19;
	v2 =	vld [tilespmem:$0x13920]  }
.LBB2_2:
0x21: {  	p0 =	sne.s32 s20, $0x4C9;
	v6 =	vld [tilespmem:$0x13880];
	s21 =	smov.u32 s20;
	s20 =	sadd.s32 $0x19, s20  }
0x22: {  	v4 =	vadd.s32 v0, v4;
	v5 =	vadd.s32 v0, v5;
	v7 =	vld [tilespmem:$0x138D0]  }
0x23: {  	[tilespmem:$0x13968] =	vst v4;
	v1 =	vadd.s32 v0, v1;
	v4 =	vld [tilespmem:$0x138E0]  }
0x24: {  	v3 =	vadd.s32 v0, v3;
	[tilespmem:$0x13988] =	vst v5;
	v5 =	vld [tilespmem:$0x13930]  }
0x25: {  	[tilespmem:$0x13958] =	vst v3;
	v3 =	vld [tilespmem:$0x13900];
	v2 =	vadd.s32 v0, v2  }
0x26: {  	v6 =	vadd.s32 v0, v6;
	[tilespmem:$0x139E8] =	vst v2;
	v2 =	vld [tilespmem:$0x13938]  }
0x27: {  	[tilespmem:$0x13948] =	vst v6;
	v6 =	vadd.s32 v0, v7;
	v7 =	vld [tilespmem:$0x138F0]  }
0x28: {  	[tilespmem:$0x13998] =	vst v6;
	v4 =	vadd.s32 v0, v4;
	v6 =	vld [tilespmem:$0x13910]  }
0x29: {  	[tilespmem:$0x139A8] =	vst v4;
	v4 =	vadd.s32 v0, v5  }
0x2a: {  	v3 =	vadd.s32 v0, v3;
	[tilespmem:$0x139F8] =	vst v4  }
0x2b: {  	[tilespmem:$0x139C8] =	vst v3;
	v2 =	vadd.s32 v0, v2  }
0x2c: {  	[tilespmem:$0x13978] =	vst v1;
	v1 =	vadd.s32 v0, v7  }
0x2d: {  	[tilespmem:$0x139B8] =	vst v1;
	v1 =	vadd.s32 v0, v6  }
0x2e: {  	[tilespmem:$0x139D8] =	vst v1  }
0x2f: {  	[tilespmem:$0x13A00] =	vst v2  }
0x30: {  	[tilespmem:s17], [sflag:$0x1] =	stream.indirect.gather [hbm4b:s4+s15], $0x80, s16, s15, $0xb8;
	[tilespmem:$0x19ED8] =	vst v63  }
0x31: {  	_ =	swait.ge [sflag:s12], $0x6400  }
0x32: {  	[sflag:s12] =	ssyncset.done $0x0  }
0x33: {  	[sflag:s12] =	ssyncadd.s32 $0xFFFF9C00  }
0x34: {  	[spmem:s2] =	stream.indirect.scatter.add.f32 [tilespmem:s17], [sflag:$0x1], $0x80, s14, s15, $0xb8;
	[tilespmem:$0x19ED8] =	vst v63  }
0x35: {  	_ =	swait.ge [sflag:s12], $0x6400  }
0x36: {  	[sflag:s12] =	ssyncset.done $0x0  }
0x37: {  	s22 =	sadd.s32 s19, s10;
	[sflag:s12] =	ssyncadd.s32 $0xFFFF9C00  }
0x38: {  	[tilespmem:s13], [sflag:$0x1] =	stream.linear.gather [hbm4b:s22+s3], $0xC8, $0x38;
	[tilespmem:$0x19ED8] =	vst v63  }
0x39: {  	_ =	swait.ge [sflag:s12], $0xC8  }
0x3a: {  	[sflag:s12] =	ssyncset.done $0x0  }
0x3b: {  	s22 =	sadd.s32 s19, s9;
	s19 =	smov.u32 s21;
	[sflag:s12] =	ssyncadd.s32 $0xFFFFFF38  }
0x3c: {  	[tilespmem:s14], [sflag:$0x1] =	stream.linear.gather [hbm4b:s22+s3], $0xC8, $0x38;
	[tilespmem:$0x19ED8] =	vst v63  }
0x3d: {  	_ =	swait.ge [sflag:s12], $0xC8  }
0x3e: {  	[sflag:s12] =	ssyncset.done $0x0  }
0x3f: {  	[sflag:s12] =	ssyncadd.s32 $0xFFFFFF38  }
.Ltmp0:
0x40: {  	v4 =	vld [tilespmem:$0x138A0];
	(pc) =	sbr.rel @p0 .LBB2_2-.Ltmp0, $4  }
0x41: {  	v5 =	vld [tilespmem:$0x138C0]  }
0x42: {  	v1 =	vld [tilespmem:$0x138B0]  }
0x43: {  	v3 =	vld [tilespmem:$0x13890]  }
0x44: {  	v2 =	vld [tilespmem:$0x13920]  }
0x45: {  	v6 =	vld [tilespmem:$0x13880];
	v4 =	vadd.s32 v0, v4  }
0x46: {  	v7 =	vld [tilespmem:$0x138D0];
	v5 =	vadd.s32 v0, v5;
	[tilespmem:$0x13968] =	vst v4  }
0x47: {  	v53 =	vld [tilespmem:$0x138F0];
	[tilespmem:$0x13988] =	vst v5;
	v1 =	vadd.s32 v0, v1  }
0x48: {  	v51 =	vld [tilespmem:$0x138E0];
	v3 =	vadd.s32 v0, v3;
	[tilespmem:$0x13978] =	vst v1  }
0x49: {  	v54 =	vld [tilespmem:$0x13910];
	[tilespmem:$0x13958] =	vst v3;
	v2 =	vadd.s32 v0, v2  }
0x4a: {  	v52 =	vld [tilespmem:$0x13930];
	v6 =	vadd.s32 v0, v6;
	[tilespmem:$0x139E8] =	vst v2  }
0x4b: {  	v55 =	vld [tilespmem:$0x13938];
	v2 =	vadd.s32 v0, v7;
	[tilespmem:$0x13948] =	vst v6  }
0x4c: {  	v3 =	vld [tilespmem:$0x13900];
	v1 =	vadd.s32 v0, v53;
	[tilespmem:$0x13998] =	vst v2  }
0x4d: {  	v2 =	vadd.s32 v0, v51;
	[tilespmem:$0x139B8] =	vst v1  }
0x4e: {  	v1 =	vadd.s32 v0, v54;
	[tilespmem:$0x139A8] =	vst v2  }
0x4f: {  	v2 =	vadd.s32 v0, v52;
	[tilespmem:$0x139D8] =	vst v1  }
0x50: {  	[tilespmem:$0x139F8] =	vst v2;
	v2 =	vadd.s32 v0, v55  }
0x51: {  	v3 =	vadd.s32 v0, v3;
	[tilespmem:$0x13A00] =	vst v2  }
0x52: {  	[tilespmem:$0x139C8] =	vst v3  }
0x53: {  	[tilespmem:s17], [sflag:$0x1] =	stream.indirect.gather [hbm4b:s4+s15], $0x80, s16, s15, $0xb8;
	[tilespmem:$0x19ED8] =	vst v63  }
0x54: {  	_ =	swait.ge [sflag:s12], $0x6400  }
0x55: {  	[sflag:s12] =	ssyncset.done $0x0  }
0x56: {  	[sflag:s12] =	ssyncadd.s32 $0xFFFF9C00  }
0x57: {  	[spmem:s2] =	stream.indirect.scatter.add.f32 [tilespmem:s17], [sflag:$0x1], $0x80, s14, s15, $0xb8;
	[tilespmem:$0x19ED8] =	vst v63  }
0x58: {  	_ =	swait.ge [sflag:s12], $0x6400  }
0x59: {  	[sflag:s12] =	ssyncset.done $0x0  }
0x5a: {  	s20 =	sadd.s32 s19, s10;
	[sflag:s12] =	ssyncadd.s32 $0xFFFF9C00  }
0x5b: {  	[tilespmem:s13], [sflag:$0x1] =	stream.linear.gather [hbm4b:s20+s3], $0xC8, $0x38;
	[tilespmem:$0x19ED8] =	vst v63  }
0x5c: {  	_ =	swait.ge [sflag:s12], $0xC8  }
0x5d: {  	[sflag:s12] =	ssyncset.done $0x0  }
0x5e: {  	s31 =	sadd.s32 s19, s9;
	[sflag:s12] =	ssyncadd.s32 $0xFFFFFF38  }
0x5f: {  	[tilespmem:s14], [sflag:$0x1] =	stream.linear.gather [hbm4b:s31+s3], $0xC8, $0x38;
	[tilespmem:$0x19ED8] =	vst v63  }
0x60: {  	_ =	swait.ge [sflag:s12], $0xC8  }
0x61: {  	[sflag:s12] =	ssyncset.done $0x0  }
0x62: {  	[sflag:s12] =	ssyncadd.s32 $0xFFFFFF38  }
0x63: {  	v1 =	vld [tilespmem:$0x138A0]  }
0x64: {  	v2 =	vld [tilespmem:$0x138C0]  }
0x65: {  	v3 =	vld [tilespmem:$0x13890]  }
0x66: {  	v56 =	vld [tilespmem:$0x13920]  }
0x67: {  	v57 =	vld [tilespmem:$0x13880]  }
0x68: {  	v58 =	vld [tilespmem:$0x138D0];
	v1 =	vadd.s32 v0, v1  }
0x69: {  	v2 =	vadd.s32 v0, v2;
	[tilespmem:$0x13968] =	vst v1;
	v1 =	vld [tilespmem:$0x138E0]  }
0x6a: {  	v3 =	vadd.s32 v0, v3;
	[tilespmem:$0x13988] =	vst v2;
	v2 =	vld [tilespmem:$0x13930]  }
0x6b: {  	v4 =	vadd.s32 v0, v56;
	[tilespmem:$0x13958] =	vst v3;
	v3 =	vld [tilespmem:$0x13900]  }
0x6c: {  	v59 =	vld [tilespmem:$0x138B0];
	v5 =	vadd.s32 v0, v57;
	[tilespmem:$0x139E8] =	vst v4  }
0x6d: {  	v63 =	vld [tilespmem:$0x13938];
	v60 =	vadd.s32 v0, v58;
	[tilespmem:$0x13948] =	vst v5  }
0x6e: {  	v61 =	vld [tilespmem:$0x138F0];
	[tilespmem:$0x13998] =	vst v60;
	v1 =	vadd.s32 v0, v1  }
0x6f: {  	v62 =	vld [tilespmem:$0x13910];
	[tilespmem:$0x139A8] =	vst v1;
	v1 =	vadd.s32 v0, v2  }
0x70: {  	v2 =	vadd.s32 v0, v3;
	[tilespmem:$0x139F8] =	vst v1  }
0x71: {  	v1 =	vadd.s32 v0, v59;
	[tilespmem:$0x139C8] =	vst v2  }
0x72: {  	v2 =	vadd.s32 v0, v63;
	[tilespmem:$0x13978] =	vst v1  }
0x73: {  	v1 =	vadd.s32 v0, v61;
	[tilespmem:$0x13A00] =	vst v2  }
0x74: {  	[tilespmem:$0x139B8] =	vst v1;
	v1 =	vadd.s32 v0, v62  }
0x75: {  	[tilespmem:$0x139D8] =	vst v1  }
0x76: {  	[tilespmem:s17], [sflag:$0x1] =	stream.indirect.gather [hbm4b:s4+s15], $0x80, s16, s15, $0xb8;
	[tilespmem:$0x19ED8] =	vst v63  }
0x77: {  	_ =	swait.ge [sflag:s12], $0x6400  }
0x78: {  	[sflag:s12] =	ssyncset.done $0x0  }
0x79: {  	[sflag:s12] =	ssyncadd.s32 $0xFFFF9C00  }
0x7a: {  	[spmem:s2] =	stream.indirect.scatter.add.f32 [tilespmem:s17], [sflag:$0x1], $0x80, s14, s15, $0xb8;
	[tilespmem:$0x19ED8] =	vst v63  }
0x7b: {  	_ =	swait.ge [sflag:s12], $0x6400  }
0x7c: {  	s18 =	sadd.s32 $0x1, s18;
	[sflag:s12] =	ssyncset.done $0x0  }
0x7d: {  	p0 =	sne.s32 s18, s8;
	[sflag:s12] =	ssyncadd.s32 $0xFFFF9C00  }
.Ltmp1:
0x7e: {  	[bflag:$0x0] =	sbarrier.arrive $0xFFFF;
	(pc) =	sbr.rel @p0 .LBB2_1-.Ltmp1, $4  }
0x7f: {  	[hbm:s7], [sflag:s6] =	dma.local [spmem:s11], $0x2710  }
0x80: {  	_ =	swait.ge [sflag:s12], $0x2710  }
0x81: {  	[sflag:s12] =	ssyncset.done $0x0  }
0x82: {  	[sflag:s12] =	ssyncadd.s32 $0xFFFFD8F0  }
0x83: {  	_ =	sfence.sel $0x180000  }
0x84: {  	[bflag:$0x0] =	sbarrier.arrive $0xFFFF  }
0x85: {  	p0 =	sne.s32 s1, $0x0;
	_ =	strace $0x9000004A  }
0x86: {  	s0 =	sadd.s32 @!p0 $0x100000, s0;
	[bflag:$0x2] =	sbarrier.arrive $0xFFFF  }
0x87: {  	[sflag:s0] =	ssyncadd.tile.s32 @!p0 $0x1;
	_ =	shalt  }
.Lfunc_end2:
_tile_overlayer_lowered:
.L_overlay_start_2:
0x88: {  	(tag) =	ssettag $0x2  }
0x89: {  	s0 =	rddreg [dreg:$0x0];
	s2 =	stileid.u32  }
0x8a: {  	s1 =	rddreg [dreg:$0x1];
	p0 =	sne.s32 s2, $0x0  }
0x8b: {  	s3 =	rddreg [dreg:$0x2];
	[bflag:$0x3] =	sbarrier.arrive $0xFFFF;
	s2 =	simm.s32 @!p0 $0x1C01  }
0x8c: {  	[timem:s3], [sflag:s2] =	dma.local @!p0 [hbm:s0], s1  }
0x8d: {  	s0 =	simm.s32 @!p0 $0x1  }
0x8e: {  	_ =	swait.ge @!p0 [sflag:s0], s1  }
0x8f: {  	s1 =	ssub.s32 @!p0 $0x0, s1;
	[sflag:s0] =	ssyncset.done @!p0 $0x0  }
0x90: {  	[sflag:s0] =	ssyncadd.s32 @!p0 s1  }
0x91: {  	[bflag:$0x3] =	sbarrier.arrive $0xFFFF  }
0x92: {  	_ =	shalt  }

// kernel: kernel.15.cloned.1.call-start
scs
__scs_entry_jumppad:
0x0: {  	(pc) =	sbr.rel $0x88, $3  }
0x1: {  	(tag) =	ssettag $0x0;
	lr =	simm.s32 $0x1  }
0x2: {  	[smem:$0x3F91] =	sst lr;
	_ =	strace $0xD0000000  }
0x3: {  	_ = 	snop  }
0x4: {  	_ = 	snop  }
0x5: {  	_ = 	snop  }
0x6: {  	_ = 	snop  }
0x7: {  	_ = 	snop  }
__scs_overlays_trampoline_lowered:
0x8: {  	[smem:$0x3FA0] =	sst s0  }
0x9: {  	[smem:$0x3FA1] =	sst s1  }
0xa: {  	[smem:$0x3FA2] =	sst s2  }
0xb: {  	[smem:$0x3FA3] =	sst s3  }
0xc: {  	[smem:$0x3FA4] =	sst s4  }
0xd: {  	[smem:$0x3FA5] =	sst s5  }
0xe: {  	[smem:$0x3FA6] =	sst s6  }
0xf: {  	[smem:$0x3FA7] =	sst s7  }
0x10: {  	[smem:$0x3FA8] =	sst s8  }
0x11: {  	[smem:$0x3FA9] =	sst s9;
	s0 =	simm.s32 @!p0 $0x0  }
0x12: {  	s1 =	sld [smem:$0x3F8F];
	s0 =	simm.s32 @p0 $0x1  }
0x13: {  	[smem:$0x3FAA] =	sst s0;
	s0 =	simm.s32 @!p1 $0x0  }
0x14: {  	s2 =	sld [smem:$0x3F8E];
	s0 =	simm.s32 @p1 $0x1  }
0x15: {  	[smem:$0x3FAB] =	sst s0;
	s0 =	simm.s32 @!p2 $0x0  }
0x16: {  	s3 =	sld [smem:$0x3FDB];
	s0 =	simm.s32 @p2 $0x1  }
0x17: {  	s4 =	simm.s32 $0x1BF5;
	[smem:$0x3FAD] =	sst s0  }
0x18: {  	s0 =	sld [smem:$0x3F90];
	_ =	swait.ge [sflag:s4], $0x0  }
0x19: {  	s7 =	sld [smem:$0x3F91]  }
0x1a: {  	s8 =	sadd.s32 $0xFFFFE003, lr  }
0x1b: {  	s9 =	sadd.s32 $0xFFFFFEF7, lr;
	s5 =	simm.s32 $0xFFFFFFFF;
	p2 =	slt.u32 s8, $0xFFFFF086  }
0x1c: {  	p1 =	slt.u32 s9, $0xF7A;
	s5 =	simm.s32 @!p2 $0x0  }
0x1d: {  	s5 =	simm.s32 @p1 $0x1;
	p0 =	seq.s32 s7, s2  }
0x1e: {  	s7 =	smul.u32 @!p0 $0xF7A, s2;
	p2 =	seq.s32 @!p0 s5, $0x0  }
0x1f: {  	s9 =	smul.u32 $0xF7A, s1;
	s8 =	simm.s32 @!p0 $0x1BF5;
	p2 =	por !p2, p0  }
0x20: {  	[sflag:s8] =	ssyncset.s32 @!p0 $0xFFFFF086;
	s6 =	sadd.s32 @!p0 s3, s7;
	s7 =	simm.s32 @!p0 $0x108  }
0x21: {  	s3 =	sadd.s32 s3, s9;
	s6 =	sadd.s32 @!p0 $0x88, s6;
	s7 =	simm.s32 @p2 $0x1082  }
0x22: {  	[simem:s7], [sflag:s8] =	dma.local @!p0 [hbm:s6], $0xF7A  }
0x23: {  	s9 =	sor.u32 $0xD0000000, s2;
	s6 =	simm.s32 $0x108;
	_ =	swait.ge @!p0 [sflag:s8], $0x0  }
0x24: {  	s3 =	sadd.s32 $0x88, s3;
	s6 =	simm.s32 @!p1 $0x1082;
	[sflag:s4] =	ssyncset.s32 $0xFFFFF086  }
0x25: {  	[simem:s6], [sflag:s4] =	dma.local [hbm:s3], $0xF7A  }
0x26: {  	[smem:$0x3F91] =	sst s1;
	(tag) =	ssettag s2;
	_ =	strace s9  }
0x27: {  	s1 =	sld [smem:$0x3FA1]  }
0x28: {  	s2 =	sld [smem:$0x3FA2]  }
0x29: {  	s4 =	sld [smem:$0x3FA4]  }
0x2a: {  	p0 =	seq.s32 s5, $0x0;
	s5 =	sld [smem:$0x3FA5]  }
0x2b: {  	s6 =	sld [smem:$0x3FA6]  }
0x2c: {  	s7 =	sld [smem:$0x3FA7]  }
0x2d: {  	s3 =	simm.s32 $0x108;
	s8 =	sld [smem:$0x3FA8]  }
0x2e: {  	s3 =	simm.s32 @!p0 $0x1082;
	s9 =	sld [smem:$0x3FA9]  }
0x2f: {  	lr =	sadd.s32 s0, s3;
	s0 =	sld [smem:$0x3FA0]  }
0x30: {  	s3 =	sld [smem:$0x3FA3]  }
0x31: {  	[smem:$0x3FAC] =	sst s10  }
0x32: {  	s10 =	sld [smem:$0x3FAA];
	_ =	sdelay $0x3  }
0x33: {  	p0 =	seq.s32 s10, $0x1;
	s10 =	sld [smem:$0x3FAC];
	_ =	sdelay $0x3  }
0x34: {  	[smem:$0x3FAC] =	sst s10  }
0x35: {  	s10 =	sld [smem:$0x3FAB];
	_ =	sdelay $0x3  }
0x36: {  	p1 =	seq.s32 s10, $0x1;
	s10 =	sld [smem:$0x3FAC];
	_ =	sdelay $0x3  }
0x37: {  	[smem:$0x3FAC] =	sst s10  }
0x38: {  	s10 =	sld [smem:$0x3FAD]  }
0x39: {  	_ = 	snop;
	(pc) =	sbr.ind lr, $3  }
0x3a: {  	_ = 	snop  }
0x3b: {  	_ = 	snop  }
0x3c: {  	p2 =	seq.s32 s10, $0x1;
	s10 =	sld [smem:$0x3FAC]  }
0x3d: {  	_ =	shalt  }
0x3e: {  	_ =	shalt  }
0x3f: {  	_ =	shalt  }
0x40: {  	_ =	shalt  }
0x41: {  	_ =	shalt  }
0x42: {  	_ =	shalt  }
0x43: {  	_ =	shalt  }
0x44: {  	_ =	shalt  }
0x45: {  	_ =	shalt  }
0x46: {  	_ =	shalt  }
0x47: {  	_ =	shalt  }
0x48: {  	_ =	shalt  }
0x49: {  	_ =	shalt  }
0x4a: {  	_ =	shalt  }
0x4b: {  	_ =	shalt  }
0x4c: {  	_ =	shalt  }
0x4d: {  	_ =	shalt  }
0x4e: {  	_ =	shalt  }
0x4f: {  	_ =	shalt  }
0x50: {  	_ =	shalt  }
0x51: {  	_ =	shalt  }
0x52: {  	_ =	shalt  }
0x53: {  	_ =	shalt  }
0x54: {  	_ =	shalt  }
0x55: {  	_ =	shalt  }
0x56: {  	_ =	shalt  }
0x57: {  	_ =	shalt  }
0x58: {  	_ =	shalt  }
0x59: {  	_ =	shalt  }
0x5a: {  	_ =	shalt  }
0x5b: {  	_ =	shalt  }
0x5c: {  	_ =	shalt  }
0x5d: {  	_ =	shalt  }
0x5e: {  	_ =	shalt  }
0x5f: {  	_ =	shalt  }
0x60: {  	_ =	shalt  }
0x61: {  	_ =	shalt  }
0x62: {  	_ =	shalt  }
0x63: {  	_ =	shalt  }
0x64: {  	_ =	shalt  }
0x65: {  	_ =	shalt  }
0x66: {  	_ =	shalt  }
0x67: {  	_ =	shalt  }
0x68: {  	_ =	shalt  }
0x69: {  	_ =	shalt  }
0x6a: {  	_ =	shalt  }
0x6b: {  	_ =	shalt  }
0x6c: {  	_ =	shalt  }
0x6d: {  	_ =	shalt  }
0x6e: {  	_ =	shalt  }
0x6f: {  	_ =	shalt  }
0x70: {  	_ =	shalt  }
0x71: {  	_ =	shalt  }
0x72: {  	_ =	shalt  }
0x73: {  	_ =	shalt  }
0x74: {  	_ =	shalt  }
0x75: {  	_ =	shalt  }
0x76: {  	_ =	shalt  }
0x77: {  	_ =	shalt  }
0x78: {  	_ =	shalt  }
0x79: {  	_ =	shalt  }
0x7a: {  	_ =	shalt  }
0x7b: {  	_ =	shalt  }
0x7c: {  	_ =	shalt  }
0x7d: {  	_ =	shalt  }
0x7e: {  	_ =	shalt  }
0x7f: {  	_ =	shalt  }
0x80: {  	_ =	shalt  }
0x81: {  	_ =	shalt  }
0x82: {  	_ =	shalt  }
0x83: {  	_ =	shalt  }
0x84: {  	_ =	shalt  }
0x85: {  	_ =	shalt  }
0x86: {  	_ =	shalt  }
0x87: {  	_ =	shalt  }
.Lfunc_end0:
.L_simem_size_0:
called_computation.2_lowered:
.L_overlay_start_0:
0x88: {  	s2 =	sld [smem:$0x3FD9]  }
0x89: {  	s3 =	sld [smem:$0x3FFE];
	_ =	sdelay $0x1  }
0x8a: {  	s1 =	srdreg.scid  }
0x8b: {  	s0 =	sand.u32 $0x1, s1  }
0x8c: {  	s16 =	sshll.u32 s0, $0xA;
	s2 =	sadd.s32 s3, s2  }
0x8d: {  	s2 =	sadd.s32 s2, s16  }
0x8e: {  	[smem:$0x3FB8] =	sst s2  }
0x8f: {  	_ = 	snop  }
0x90: {  	(tm) =	ssettm $0x1  }
0x91: {  	s17 =	sld [smem:$0x3FFB];
	_ =	sdelay $0x3  }
0x92: {  	_ =	strace s17  }
0x93: {  	s2 =	sld [smem:$0x3FFC];
	_ =	sdelay $0x3  }
0x94: {  	_ =	strace s2  }
0x95: {  	s2 =	sld [smem:$0x3FFD];
	_ =	sdelay $0x3  }
0x96: {  	_ =	strace s2  }
0x97: {  	_ =	strace $0x8FFFFFFF  }
0x98: {  	s18 =	sld [smem:$0x3FDB];
	_ =	sdelay $0x1  }
0x99: {  	s19 =	simm.s32 $_scs_section_size  }
0x9a: {  	s4 =	simm.s32 $_size__tile_overlayer_lowered;
	s5 =	simm.s32 $_tile_overlayer_lowered  }
0x9b: {  	s22 =	simm.s32 $0x1BFF;
	s21 =	sshll.u32 s5, $0x1;
	s2 =	sadd.s32 s19, s18  }
0x9c: {  	s6 =	simm.s32 $0x0;
	s20 =	sshll.u32 s4, $0x1;
	s4 =	sadd.s32 s21, s2  }
0x9d: {  	[timem:s6], [sflag:s22] =	dma.local [hbm:s4], s20  }
0x9e: {  	_ =	swait.ge [sflag:s22], s20  }
0x9f: {  	s3 =	ssub.s32 $0x0, s20;
	[sflag:s22] =	ssyncset.done $0x0  }
0xa0: {  	[sflag:s22] =	ssyncadd.s32 s3;
	_ =	sdelay $0x1  }
0xa1: {  	s23 =	simm.s32 $0x1B8B  }
0xa2: {  	_ =	swait.ge [sflag:s23], $0x1  }
0xa3: {  	[sflag:s23] =	ssyncset.done $0x0  }
0xa4: {  	s25 =	simm.s32 $0x1B8E;
	s24 =	sld [smem:$0x3FFE];
	[sflag:s23] =	ssyncadd.s32 $0xFFFFFFFF  }
0xa5: {  	s26 =	simm.s32 $execute0_lowered;
	[smem:$0x3FD2] =	sst s25  }
0xa6: {  	s4 =	sshll.u32 s26, $0x1;
	_ =	strace $0x8000004C;
	[dreg:$0x1] =	wrdreg $0xFFFFFFFF  }
0xa7: {  	s28 =	simm.s32 $_size_execute0_lowered;
	s2 =	sadd.s32 s2, s4;
	[dreg:$0x0] =	wrdreg $0x0  }
0xa8: {  	s4 =	sshll.u32 s28, $0x1;
	[dreg:$0x2] =	wrdreg s2  }
0xa9: {  	[dreg:$0x3] =	wrdreg s4  }
0xaa: {  	[dreg:$0x4] =	wrdreg $0xC0  }
0xab: {  	_ =	task [dreg:s6], $0x5FFFF  }
0xac: {  	[dreg:$0x1] =	wrdreg $0xFFFFFFFF  }
0xad: {  	[dreg:$0x0] =	wrdreg $0x60  }
0xae: {  	[dreg:$0x2] =	wrdreg s24  }
0xaf: {  	[dreg:$0x3] =	wrdreg $0x9  }
0xb0: {  	_ =	task.clear_ibuf [dreg:s6], $0x4FFFF;
	_ =	strace $0x9000004C  }
0xb1: {  	s29 =	simm.s32 $0x9;
	_ =	strace $0x8000004E  }
0xb2: {  	_ =	swait.ge [sflag:s29], $0x1  }
0xb3: {  	[sflag:s29] =	ssyncadd.s32 $0xFFFFFFFF  }
0xb4: {  	_ =	strace $0x9000004E  }
0xb5: {  	_ =	sfence  }
0xb6: {  	s30 =	sld [smem:$0x0];
	_ =	sdelay $0x2  }
0xb7: {  	s31 =	sshll.u32 s1, $0xD;
	s1 =	sshrl.u32 s1, $0x2  }
0xb8: {  	s3 =	sand.u32 $0x4000, s31;
	s1 =	sadd.s32 s1, s30  }
0xb9: {  	s0 =	sor.u32 s3, s0;
	s1 =	sshll.u32 s1, $0x11  }
0xba: {  	s0 =	sor.u32 s1, s0  }
0xbb: {  	s0 =	sadd.s32 $0x8F2B, s0  }
0xbc: {  	[sflag:s0] =	ssyncadd.remote.s32 $0x1  }
0xbd: {  	_ =	sfence.sel $0xFFFF  }
0xbe: {  	[dreg:$0x0] =	wrdreg $0xFFFFFFFF;
	(pc) =	sbr.abs _section_cstart, $3  }
0xbf: {  	[dreg:$0x1] =	wrdreg $0xFFFFFFFF  }
0xc0: {  	_ =	task.clear_ibuf [dreg:s6], $0x2FFFF;
	_ =	strace $0x9FFFFFFF  }
0xc1: {  	(tm) =	ssettm $0x7FFFFFFF  }
tec
execute0_lowered:
.L_overlay_start_1:
0x0: {  	(tag) =	ssettag $0x1  }
0x1: {  	s1 =	srdreg.scid;
	s0 =	stileid.u32  }
0x2: {  	s1 =	sand.u32 $0x1, s1;
	s2 =	smul.u32 $0x2710, s0  }
0x3: {  	s3 =	smul.u32 $0x1388, s1;
	_ =	sdelay $0x1  }
0x4: {  	s5 =	rddreg [dreg:$0x0];
	s3 =	sadd.s32 s3, s2;
	s2 =	simm.s32 $0x0  }
0x5: {  	s20 =	simm.s32 $0x100;
	[smem:$0x7FF] =	sst s2  }
0x6: {  	s21 =	simm.s32 $0xA00;
	_ =	strace $0x8000004D;
	[dreg:$0x4] =	wrdreg s20  }
0x7: {  	s22 =	simm.s32 $0x1200;
	[dreg:$0x5] =	wrdreg s21  }
0x8: {  	s23 =	simm.s32 $0x1A00;
	[dreg:$0x6] =	wrdreg s22  }
0x9: {  	s24 =	simm.s32 $0x2200;
	[dreg:$0x7] =	wrdreg s23  }
0xa: {  	s25 =	simm.s32 $0x2A00;
	[dreg:$0x8] =	wrdreg s24  }
0xb: {  	s26 =	simm.s32 $0x3200;
	[dreg:$0x9] =	wrdreg s25  }
0xc: {  	s30 =	simm.s32 $0x3A00;
	[dreg:$0xa] =	wrdreg s26  }
0xd: {  	s31 =	simm.s32 $0x4200;
	[dreg:$0xb] =	wrdreg s30  }
0xe: {  	s6 =	simm.s32 $0x5200;
	[dreg:$0xc] =	wrdreg s31  }
0xf: {  	s7 =	simm.s32 $0x5A00;
	[dreg:$0xe] =	wrdreg s6  }
0x10: {  	s8 =	simm.s32 $0x6200;
	[dreg:$0xf] =	wrdreg s7  }
0x11: {  	s9 =	simm.s32 $0x6A00;
	[dreg:$0x10] =	wrdreg s8  }
0x12: {  	s10 =	simm.s32 $0x7200;
	[dreg:$0x11] =	wrdreg s9  }
0x13: {  	s11 =	simm.s32 $0x7A00;
	[dreg:$0x12] =	wrdreg s10  }
0x14: {  	s12 =	simm.s32 $0x8200;
	s13 =	simm.s32 $0x8A00;
	[dreg:$0x13] =	wrdreg s11  }
0x15: {  	s14 =	simm.s32 $0x9200;
	s15 =	simm.s32 $0x9A00;
	[dreg:$0x14] =	wrdreg s12  }
0x16: {  	s16 =	simm.s32 $0xAA00;
	s17 =	simm.s32 $0xB200;
	[dreg:$0x15] =	wrdreg s13  }
0x17: {  	s19 =	simm.s32 $0xBA00;
	s28 =	simm.s32 $0x18A00;
	[dreg:$0x16] =	wrdreg s14  }
0x18: {  	s29 =	simm.s32 $0x0;
	s18 =	ssub.s32 $0x2, s1;
	[dreg:$0x17] =	wrdreg s15  }
0x19: {  	s1 =	smul.u32 $0x27100, s1;
	s3 =	sshrl.u32 s3, $0x3;
	[dreg:$0x19] =	wrdreg s16  }
0x1a: {  	s3 =	sadd.s32 s3, s5;
	s6 =	smul.u32 $0x4E200, s0;
	[dreg:$0x1a] =	wrdreg s17  }
0x1b: {  	s7 =	simm.s32 $0xA200;
	s8 =	sshrl.u32 s18, $0x1;
	[dreg:$0x1b] =	wrdreg s19  }
0x1c: {  	s20 =	simm.s32 $0xC200;
	s21 =	simm.s32 $0xD200;
	s22 =	simm.s32 $0xDA00  }
0x1d: {  	s24 =	simm.s32 $0xE200;
	s25 =	simm.s32 $0xEA00;
	[dreg:$0x18] =	wrdreg s7  }
0x1e: {  	s26 =	simm.s32 $0xF200;
	s30 =	simm.s32 $0xFA00;
	[dreg:$0x1c] =	wrdreg s20  }
0x1f: {  	s31 =	simm.s32 $0x10200;
	s9 =	simm.s32 $0x200;
	[dreg:$0x1d] =	wrdreg s21  }
0x20: {  	s10 =	simm.s32 $0xCA00;
	s11 =	simm.s32 $0x10A00;
	[dreg:$0x1e] =	wrdreg s22  }
0x21: {  	s12 =	simm.s32 $0x11200;
	s13 =	simm.s32 $0x11A00;
	[dreg:$0x1f] =	wrdreg s24  }
0x22: {  	s14 =	simm.s32 $0x12200;
	s15 =	simm.s32 $0x12A00;
	[smem:$0x7FA] =	sst s25  }
0x23: {  	s16 =	simm.s32 $0x13200;
	s17 =	simm.s32 $0x13A00;
	[smem:$0x7FB] =	sst s26  }
0x24: {  	s19 =	simm.s32 $0x14A00;
	s4 =	sadd.s32 $0x14AE00, s3;
	[smem:$0x7FC] =	sst s30  }
0x25: {  	s3 =	sadd.s32 $0x14FE00, s3;
	s7 =	ssub.s32 s18, s8;
	[smem:$0x7FD] =	sst s31  }
0x26: {  	s18 =	simm.s32 $0x14200;
	s20 =	simm.s32 $0x15200;
	s21 =	simm.s32 $0x15A00  }
0x27: {  	s22 =	simm.s32 $0x16200;
	s24 =	simm.s32 $0x17200;
	[dreg:$0x2] =	wrdreg s4  }
0x28: {  	s25 =	simm.s32 $0x17A00;
	s26 =	simm.s32 $0x18200;
	[dreg:$0x3] =	wrdreg s3  }
0x29: {  	s4 =	simm.s32 $0x4A00;
	s3 =	sadd.s32 $0x3600, s5;
	s6 =	sadd.s32 s6, s5  }
0x2a: {  	v2 =	vlaneseq.u32;
	s23 =	smax.u32 s7, $0x1;
	[dreg:$0xd] =	wrdreg s4;
	s4 =	sadd.s32 $0x5B800, s5  }
0x2b: {  	vm0 =	vmmov $0xffff;
	v1 =	vshrl.u32 v2, $0x3;
	[smem:$0x7F9] =	sst s23;
	s1 =	sadd.s32 s1, s6;
	s23 =	simm.s32 $0x16A00  }
0x2c: {  	v0 =	vand.u32 $0x7, v2;
	v2 =	vor.u32 $0x8, v2;
	v1 =	vmul.u32 $0x8, v1;
	s8 =	simm.s32 $0x1;
	s6 =	sadd.s32 $0x154E00, s1;
	s7 =	sadd.s32 $0x636E00, s1  }
.LBB2_1:
0x2d: {  	s30 =	smov.u32 s7;
	s31 =	smov.u32 s6;
	s1 =	simm.s32 $0x0  }
.LBB2_2:
0x2e: {  	s0 =	rddreg [dreg:$0x3]  }
0x2f: {  	s0 =	sadd.s32 s1, s0  }
0x30: {  	[tilespmem:s2], [sflag:$0x1] =	stream.linear.gather [hbm4b:s0+s2], $0xC8, $0x38;
	[tilespmem:$0x19200] =	vst v63  }
0x31: {  	_ =	swait.ge [sflag:s8], $0xC8  }
0x32: {  	s0 =	rddreg [dreg:$0x2];
	[sflag:s8] =	ssyncset.done $0x0  }
0x33: {  	s5 =	rddreg [dreg:$0x4];
	[sflag:s8] =	ssyncadd.s32 $0xFFFFFF38;
	s0 =	sadd.s32 s1, s0  }
0x34: {  	[tilespmem:s5], [sflag:$0x1] =	stream.linear.gather [hbm4b:s0+s2], $0xC8, $0x38;
	[tilespmem:$0x19200] =	vst v63  }
0x35: {  	_ =	swait.ge [sflag:s8], $0xC8  }
0x36: {  	[sflag:s8] =	ssyncset.done $0x0  }
0x37: {  	[sflag:s8] =	ssyncadd.s32 $0xFFFFFF38  }
0x38: {  	v3 =	vld [tilespmem:$0x0];
	_ =	sdelay $0x4  }
0x39: {  	v4 =	vshll.u32 v3, $0x1  }
0x3a: {  	v3 =	vand.u32 $0x7, v3;
	v4 =	vand.u32 $0xFFFFFFF0, v4  }
0x3b: {  	v3 =	vor.u32 v3, v4  }
0x3c: {  	v4 =	vperm.xlane v3, v0;
	_ =	sdelay $0x1  }
0x3d: {  	v3 =	vperm.xlane v3, v2;
	v4 =	vadd.s32 v1, v4;
	_ =	sdelay $0x1  }
0x3e: {  	v3 =	vadd.s32 v1, v3;
	_ =	sdelay $0x2  }
0x3f: {  	[tilespmem:s9], [sflag:$0x1] =	stream.indirect_vreg.gather [hbm4b:s3+s2], $0x80, v4, vm0, $0xb8;
	[tilespmem:$0x19200] =	vst v63  }
0x40: {  	s5 =	rddreg [dreg:$0x5]  }
0x41: {  	[tilespmem:s5], [sflag:$0x1] =	stream.indirect_vreg.gather [hbm4b:s3+s2], $0x80, v3, vm0, $0xb8;
	[tilespmem:$0x19200] =	vst v63  }
0x42: {  	v3 =	vld [tilespmem:$0x10];
	_ =	sdelay $0x4  }
0x43: {  	v39 =	vshll.u32 v3, $0x1  }
0x44: {  	v3 =	vand.u32 $0x7, v3;
	v4 =	vand.u32 $0xFFFFFFF0, v39  }
0x45: {  	v3 =	vor.u32 v3, v4  }
0x46: {  	v4 =	vperm.xlane v3, v0;
	_ =	sdelay $0x1  }
0x47: {  	v3 =	vperm.xlane v3, v2;
	v4 =	vadd.s32 v1, v4;
	_ =	sdelay $0x1  }
0x48: {  	v3 =	vadd.s32 v1, v3;
	_ =	sdelay $0x1  }
0x49: {  	s0 =	rddreg [dreg:$0x6]  }
0x4a: {  	[tilespmem:s0], [sflag:$0x1] =	stream.indirect_vreg.gather [hbm4b:s3+s2], $0x80, v4, vm0, $0xb8;
	[tilespmem:$0x19200] =	vst v63  }
0x4b: {  	s5 =	rddreg [dreg:$0x7]  }
0x4c: {  	[tilespmem:s5], [sflag:$0x1] =	stream.indirect_vreg.gather [hbm4b:s3+s2], $0x80, v3, vm0, $0xb8;
	[tilespmem:$0x19200] =	vst v63  }
0x4d: {  	v3 =	vld [tilespmem:$0x20];
	_ =	sdelay $0x4  }
0x4e: {  	v40 =	vshll.u32 v3, $0x1  }
0x4f: {  	v3 =	vand.u32 $0x7, v3;
	v4 =	vand.u32 $0xFFFFFFF0, v40  }
0x50: {  	v3 =	vor.u32 v3, v4  }
0x51: {  	v4 =	vperm.xlane v3, v0;
	_ =	sdelay $0x1  }
0x52: {  	v3 =	vperm.xlane v3, v2;
	v4 =	vadd.s32 v1, v4;
	_ =	sdelay $0x1  }
0x53: {  	v3 =	vadd.s32 v1, v3;
	_ =	sdelay $0x1  }
0x54: {  	s0 =	rddreg [dreg:$0x8]  }
0x55: {  	[tilespmem:s0], [sflag:$0x1] =	stream.indirect_vreg.gather [hbm4b:s3+s2], $0x80, v4, vm0, $0xb8;
	[tilespmem:$0x19200] =	vst v63  }
0x56: {  	s5 =	rddreg [dreg:$0x9]  }
0x57: {  	[tilespmem:s5], [sflag:$0x1] =	stream.indirect_vreg.gather [hbm4b:s3+s2], $0x80, v3, vm0, $0xb8;
	[tilespmem:$0x19200] =	vst v63  }
0x58: {  	v3 =	vld [tilespmem:$0x30];
	_ =	sdelay $0x4  }
0x59: {  	v41 =	vshll.u32 v3, $0x1  }
0x5a: {  	v3 =	vand.u32 $0x7, v3;
	v4 =	vand.u32 $0xFFFFFFF0, v41  }
0x5b: {  	v3 =	vor.u32 v3, v4  }
0x5c: {  	v4 =	vperm.xlane v3, v0;
	_ =	sdelay $0x1  }
0x5d: {  	v3 =	vperm.xlane v3, v2;
	v4 =	vadd.s32 v1, v4;
	_ =	sdelay $0x1  }
0x5e: {  	v3 =	vadd.s32 v1, v3;
	_ =	sdelay $0x1  }
0x5f: {  	s0 =	rddreg [dreg:$0xa]  }
0x60: {  	[tilespmem:s0], [sflag:$0x1] =	stream.indirect_vreg.gather [hbm4b:s3+s2], $0x80, v4, vm0, $0xb8;
	[tilespmem:$0x19200] =	vst v63  }
0x61: {  	s5 =	rddreg [dreg:$0xb]  }
0x62: {  	[tilespmem:s5], [sflag:$0x1] =	stream.indirect_vreg.gather [hbm4b:s3+s2], $0x80, v3, vm0, $0xb8;
	[tilespmem:$0x19200] =	vst v63  }
0x63: {  	v3 =	vld [tilespmem:$0x40];
	_ =	sdelay $0x4  }
0x64: {  	v42 =	vshll.u32 v3, $0x1  }
0x65: {  	v3 =	vand.u32 $0x7, v3;
	v4 =	vand.u32 $0xFFFFFFF0, v42  }
0x66: {  	v3 =	vor.u32 v3, v4  }
0x67: {  	v4 =	vperm.xlane v3, v0;
	_ =	sdelay $0x1  }
0x68: {  	v3 =	vperm.xlane v3, v2;
	v4 =	vadd.s32 v1, v4;
	_ =	sdelay $0x1  }
0x69: {  	v3 =	vadd.s32 v1, v3;
	_ =	sdelay $0x1  }
0x6a: {  	s0 =	rddreg [dreg:$0xc]  }
0x6b: {  	[tilespmem:s0], [sflag:$0x1] =	stream.indirect_vreg.gather [hbm4b:s3+s2], $0x80, v4, vm0, $0xb8;
	[tilespmem:$0x19200] =	vst v63  }
0x6c: {  	s5 =	rddreg [dreg:$0xd]  }
0x6d: {  	[tilespmem:s5], [sflag:$0x1] =	stream.indirect_vreg.gather [hbm4b:s3+s2], $0x80, v3, vm0, $0xb8;
	[tilespmem:$0x19200] =	vst v63  }
0x6e: {  	v3 =	vld [tilespmem:$0x50];
	_ =	sdelay $0x4  }
0x6f: {  	v43 =	vshll.u32 v3, $0x1  }
0x70: {  	v3 =	vand.u32 $0x7, v3;
	v4 =	vand.u32 $0xFFFFFFF0, v43  }
0x71: {  	v3 =	vor.u32 v3, v4  }
0x72: {  	v4 =	vperm.xlane v3, v0;
	_ =	sdelay $0x1  }
0x73: {  	v3 =	vperm.xlane v3, v2;
	v4 =	vadd.s32 v1, v4;
	_ =	sdelay $0x1  }
0x74: {  	v3 =	vadd.s32 v1, v3;
	_ =	sdelay $0x1  }
0x75: {  	s0 =	rddreg [dreg:$0xe]  }
0x76: {  	[tilespmem:s0], [sflag:$0x1] =	stream.indirect_vreg.gather [hbm4b:s3+s2], $0x80, v4, vm0, $0xb8;
	[tilespmem:$0x19200] =	vst v63  }
0x77: {  	s5 =	rddreg [dreg:$0xf]  }
0x78: {  	[tilespmem:s5], [sflag:$0x1] =	stream.indirect_vreg.gather [hbm4b:s3+s2], $0x80, v3, vm0, $0xb8;
	[tilespmem:$0x19200] =	vst v63  }
0x79: {  	v3 =	vld [tilespmem:$0x60];
	_ =	sdelay $0x4  }
0x7a: {  	v44 =	vshll.u32 v3, $0x1  }
0x7b: {  	v3 =	vand.u32 $0x7, v3;
	v4 =	vand.u32 $0xFFFFFFF0, v44  }
0x7c: {  	v3 =	vor.u32 v3, v4  }
0x7d: {  	v4 =	vperm.xlane v3, v0;
	_ =	sdelay $0x1  }
0x7e: {  	v3 =	vperm.xlane v3, v2;
	v4 =	vadd.s32 v1, v4;
	_ =	sdelay $0x1  }
0x7f: {  	v3 =	vadd.s32 v1, v3;
	_ =	sdelay $0x1  }
0x80: {  	s0 =	rddreg [dreg:$0x10]  }
0x81: {  	[tilespmem:s0], [sflag:$0x1] =	stream.indirect_vreg.gather [hbm4b:s3+s2], $0x80, v4, vm0, $0xb8;
	[tilespmem:$0x19200] =	vst v63  }
0x82: {  	s5 =	rddreg [dreg:$0x11]  }
0x83: {  	[tilespmem:s5], [sflag:$0x1] =	stream.indirect_vreg.gather [hbm4b:s3+s2], $0x80, v3, vm0, $0xb8;
	[tilespmem:$0x19200] =	vst v63  }
0x84: {  	v3 =	vld [tilespmem:$0x70];
	_ =	sdelay $0x4  }
0x85: {  	v45 =	vshll.u32 v3, $0x1  }
0x86: {  	v3 =	vand.u32 $0x7, v3;
	v4 =	vand.u32 $0xFFFFFFF0, v45  }
0x87: {  	v3 =	vor.u32 v3, v4  }
0x88: {  	v4 =	vperm.xlane v3, v0;
	_ =	sdelay $0x1  }
0x89: {  	v3 =	vperm.xlane v3, v2;
	v4 =	vadd.s32 v1, v4;
	_ =	sdelay $0x1  }
0x8a: {  	v3 =	vadd.s32 v1, v3;
	_ =	sdelay $0x1  }
0x8b: {  	s0 =	rddreg [dreg:$0x12]  }
0x8c: {  	[tilespmem:s0], [sflag:$0x1] =	stream.indirect_vreg.gather [hbm4b:s3+s2], $0x80, v4, vm0, $0xb8;
	[tilespmem:$0x19200] =	vst v63  }
0x8d: {  	s5 =	rddreg [dreg:$0x13]  }
0x8e: {  	[tilespmem:s5], [sflag:$0x1] =	stream.indirect_vreg.gather [hbm4b:s3+s2], $0x80, v3, vm0, $0xb8;
	[tilespmem:$0x19200] =	vst v63  }
0x8f: {  	v3 =	vld [tilespmem:$0x80];
	_ =	sdelay $0x4  }
0x90: {  	v46 =	vshll.u32 v3, $0x1  }
0x91: {  	v3 =	vand.u32 $0x7, v3;
	v4 =	vand.u32 $0xFFFFFFF0, v46  }
0x92: {  	v3 =	vor.u32 v3, v4  }
0x93: {  	v4 =	vperm.xlane v3, v0;
	_ =	sdelay $0x1  }
0x94: {  	v3 =	vperm.xlane v3, v2;
	v4 =	vadd.s32 v1, v4;
	_ =	sdelay $0x1  }
0x95: {  	v3 =	vadd.s32 v1, v3;
	_ =	sdelay $0x1  }
0x96: {  	s0 =	rddreg [dreg:$0x14]  }
0x97: {  	[tilespmem:s0], [sflag:$0x1] =	stream.indirect_vreg.gather [hbm4b:s3+s2], $0x80, v4, vm0, $0xb8;
	[tilespmem:$0x19200] =	vst v63  }
0x98: {  	s5 =	rddreg [dreg:$0x15]  }
0x99: {  	[tilespmem:s5], [sflag:$0x1] =	stream.indirect_vreg.gather [hbm4b:s3+s2], $0x80, v3, vm0, $0xb8;
	[tilespmem:$0x19200] =	vst v63  }
0x9a: {  	v3 =	vld [tilespmem:$0x90];
	_ =	sdelay $0x4  }
0x9b: {  	v47 =	vshll.u32 v3, $0x1  }
0x9c: {  	v3 =	vand.u32 $0x7, v3;
	v4 =	vand.u32 $0xFFFFFFF0, v47  }
0x9d: {  	v3 =	vor.u32 v3, v4  }
0x9e: {  	v4 =	vperm.xlane v3, v0;
	_ =	sdelay $0x1  }
0x9f: {  	v3 =	vperm.xlane v3, v2;
	v4 =	vadd.s32 v1, v4;
	_ =	sdelay $0x1  }
0xa0: {  	v3 =	vadd.s32 v1, v3;
	_ =	sdelay $0x1  }
0xa1: {  	s0 =	rddreg [dreg:$0x16]  }
0xa2: {  	[tilespmem:s0], [sflag:$0x1] =	stream.indirect_vreg.gather [hbm4b:s3+s2], $0x80, v4, vm0, $0xb8;
	[tilespmem:$0x19200] =	vst v63  }
0xa3: {  	s5 =	rddreg [dreg:$0x17]  }
0xa4: {  	[tilespmem:s5], [sflag:$0x1] =	stream.indirect_vreg.gather [hbm4b:s3+s2], $0x80, v3, vm0, $0xb8;
	[tilespmem:$0x19200] =	vst v63  }
0xa5: {  	v3 =	vld [tilespmem:$0xA0];
	_ =	sdelay $0x4  }
0xa6: {  	v48 =	vshll.u32 v3, $0x1  }
0xa7: {  	v3 =	vand.u32 $0x7, v3;
	v4 =	vand.u32 $0xFFFFFFF0, v48  }
0xa8: {  	v3 =	vor.u32 v3, v4  }
0xa9: {  	v4 =	vperm.xlane v3, v0;
	_ =	sdelay $0x1  }
0xaa: {  	v3 =	vperm.xlane v3, v2;
	v4 =	vadd.s32 v1, v4;
	_ =	sdelay $0x1  }
0xab: {  	v3 =	vadd.s32 v1, v3;
	_ =	sdelay $0x1  }
0xac: {  	s0 =	rddreg [dreg:$0x18]  }
0xad: {  	[tilespmem:s0], [sflag:$0x1] =	stream.indirect_vreg.gather [hbm4b:s3+s2], $0x80, v4, vm0, $0xb8;
	[tilespmem:$0x19200] =	vst v63  }
0xae: {  	s5 =	rddreg [dreg:$0x19]  }
0xaf: {  	[tilespmem:s5], [sflag:$0x1] =	stream.indirect_vreg.gather [hbm4b:s3+s2], $0x80, v3, vm0, $0xb8;
	[tilespmem:$0x19200] =	vst v63  }
0xb0: {  	v3 =	vld [tilespmem:$0xB0];
	_ =	sdelay $0x4  }
0xb1: {  	v49 =	vshll.u32 v3, $0x1  }
0xb2: {  	v3 =	vand.u32 $0x7, v3;
	v4 =	vand.u32 $0xFFFFFFF0, v49  }
0xb3: {  	v3 =	vor.u32 v3, v4  }
0xb4: {  	v4 =	vperm.xlane v3, v0;
	_ =	sdelay $0x1  }
0xb5: {  	v3 =	vperm.xlane v3, v2;
	v4 =	vadd.s32 v1, v4;
	_ =	sdelay $0x1  }
0xb6: {  	v3 =	vadd.s32 v1, v3;
	_ =	sdelay $0x1  }
0xb7: {  	s0 =	rddreg [dreg:$0x1a]  }
0xb8: {  	[tilespmem:s0], [sflag:$0x1] =	stream.indirect_vreg.gather [hbm4b:s3+s2], $0x80, v4, vm0, $0xb8;
	[tilespmem:$0x19200] =	vst v63  }
0xb9: {  	s5 =	rddreg [dreg:$0x1b]  }
0xba: {  	[tilespmem:s5], [sflag:$0x1] =	stream.indirect_vreg.gather [hbm4b:s3+s2], $0x80, v3, vm0, $0xb8;
	[tilespmem:$0x19200] =	vst v63  }
0xbb: {  	v3 =	vld.msk [tilespmem:$0xC0], $0xff;
	_ =	sdelay $0x4  }
0xbc: {  	v50 =	vshll.u32 v3, $0x1  }
0xbd: {  	v3 =	vand.u32 $0x7, v3;
	v4 =	vand.u32 $0xFFFFFFF0, v50  }
0xbe: {  	v3 =	vor.u32 v3, v4  }
0xbf: {  	v3 =	vperm.xlane v3, v0;
	_ =	sdelay $0x1  }
0xc0: {  	v3 =	vadd.s32 v1, v3;
	_ =	sdelay $0x3  }
0xc1: {  	s5 =	rddreg [dreg:$0x1c]  }
0xc2: {  	[tilespmem:s5], [sflag:$0x1] =	stream.indirect_vreg.gather [hbm4b:s3+s2], $0x80, v3, vm0, $0xb8;
	[tilespmem:$0x19200] =	vst v63  }
0xc3: {  	_ =	swait.ge [sflag:s8], $0xC800  }
0xc4: {  	[sflag:s8] =	ssyncset.done $0x0  }
0xc5: {  	[sflag:s8] =	ssyncadd.s32 $0xFFFF3800  }
0xc6: {  	v3 =	vld [tilespmem:$0x100];
	_ =	sdelay $0x4  }
0xc7: {  	v51 =	vshll.u32 v3, $0x1  }
0xc8: {  	v3 =	vand.u32 $0x7, v3;
	v4 =	vand.u32 $0xFFFFFFF0, v51  }
0xc9: {  	v3 =	vor.u32 v3, v4  }
0xca: {  	v4 =	vperm.xlane v3, v0;
	_ =	sdelay $0x1  }
0xcb: {  	v3 =	vperm.xlane v3, v2;
	v4 =	vadd.s32 v1, v4;
	_ =	sdelay $0x1  }
0xcc: {  	v3 =	vadd.s32 v1, v3;
	_ =	sdelay $0x2  }
0xcd: {  	[tilespmem:s10], [sflag:$0x1] =	stream.indirect_vreg.gather [hbm4b:s4+s2], $0x80, v4, vm0, $0xb8;
	[tilespmem:$0x19200] =	vst v63  }
0xce: {  	s5 =	rddreg [dreg:$0x1d]  }
0xcf: {  	[tilespmem:s5], [sflag:$0x1] =	stream.indirect_vreg.gather [hbm4b:s4+s2], $0x80, v3, vm0, $0xb8;
	[tilespmem:$0x19200] =	vst v63  }
0xd0: {  	v3 =	vld [tilespmem:$0x110];
	_ =	sdelay $0x4  }
0xd1: {  	v52 =	vshll.u32 v3, $0x1  }
0xd2: {  	v3 =	vand.u32 $0x7, v3;
	v4 =	vand.u32 $0xFFFFFFF0, v52  }
0xd3: {  	v3 =	vor.u32 v3, v4  }
0xd4: {  	v4 =	vperm.xlane v3, v0;
	_ =	sdelay $0x1  }
0xd5: {  	v3 =	vperm.xlane v3, v2;
	v4 =	vadd.s32 v1, v4;
	_ =	sdelay $0x1  }
0xd6: {  	v3 =	vadd.s32 v1, v3;
	_ =	sdelay $0x1  }
0xd7: {  	s0 =	rddreg [dreg:$0x1e]  }
0xd8: {  	[tilespmem:s0], [sflag:$0x1] =	stream.indirect_vreg.gather [hbm4b:s4+s2], $0x80, v4, vm0, $0xb8;
	[tilespmem:$0x19200] =	vst v63  }
0xd9: {  	s5 =	rddreg [dreg:$0x1f]  }
0xda: {  	[tilespmem:s5], [sflag:$0x1] =	stream.indirect_vreg.gather [hbm4b:s4+s2], $0x80, v3, vm0, $0xb8;
	[tilespmem:$0x19200] =	vst v63  }
0xdb: {  	v3 =	vld [tilespmem:$0x120];
	_ =	sdelay $0x4  }
0xdc: {  	v53 =	vshll.u32 v3, $0x1  }
0xdd: {  	v3 =	vand.u32 $0x7, v3;
	v4 =	vand.u32 $0xFFFFFFF0, v53  }
0xde: {  	v3 =	vor.u32 v3, v4  }
0xdf: {  	v4 =	vperm.xlane v3, v0;
	_ =	sdelay $0x1  }
0xe0: {  	v3 =	vperm.xlane v3, v2;
	v4 =	vadd.s32 v1, v4;
	_ =	sdelay $0x1  }
0xe1: {  	s0 =	sld [smem:$0x7FA];
	v3 =	vadd.s32 v1, v3;
	_ =	sdelay $0x1  }
0xe2: {  	s5 =	sld [smem:$0x7FB]  }
0xe3: {  	[tilespmem:s0], [sflag:$0x1] =	stream.indirect_vreg.gather [hbm4b:s4+s2], $0x80, v4, vm0, $0xb8;
	[tilespmem:$0x19200] =	vst v63  }
0xe4: {  	_ = 	snop  }
0xe5: {  	[tilespmem:s5], [sflag:$0x1] =	stream.indirect_vreg.gather [hbm4b:s4+s2], $0x80, v3, vm0, $0xb8;
	[tilespmem:$0x19200] =	vst v63  }
0xe6: {  	v3 =	vld [tilespmem:$0x130];
	_ =	sdelay $0x4  }
0xe7: {  	v54 =	vshll.u32 v3, $0x1  }
0xe8: {  	v3 =	vand.u32 $0x7, v3;
	v4 =	vand.u32 $0xFFFFFFF0, v54  }
0xe9: {  	v3 =	vor.u32 v3, v4  }
0xea: {  	v4 =	vperm.xlane v3, v0;
	_ =	sdelay $0x1  }
0xeb: {  	v3 =	vperm.xlane v3, v2;
	v4 =	vadd.s32 v1, v4;
	_ =	sdelay $0x1  }
0xec: {  	s0 =	sld [smem:$0x7FC];
	v3 =	vadd.s32 v1, v3;
	_ =	sdelay $0x1  }
0xed: {  	s5 =	sld [smem:$0x7FD]  }
0xee: {  	[tilespmem:s0], [sflag:$0x1] =	stream.indirect_vreg.gather [hbm4b:s4+s2], $0x80, v4, vm0, $0xb8;
	[tilespmem:$0x19200] =	vst v63  }
0xef: {  	_ = 	snop  }
0xf0: {  	[tilespmem:s5], [sflag:$0x1] =	stream.indirect_vreg.gather [hbm4b:s4+s2], $0x80, v3, vm0, $0xb8;
	[tilespmem:$0x19200] =	vst v63  }
0xf1: {  	v3 =	vld [tilespmem:$0x140];
	_ =	sdelay $0x4  }
0xf2: {  	v55 =	vshll.u32 v3, $0x1  }
0xf3: {  	v3 =	vand.u32 $0x7, v3;
	v4 =	vand.u32 $0xFFFFFFF0, v55  }
0xf4: {  	v3 =	vor.u32 v3, v4  }
0xf5: {  	v4 =	vperm.xlane v3, v0;
	_ =	sdelay $0x1  }
0xf6: {  	v3 =	vperm.xlane v3, v2;
	v4 =	vadd.s32 v1, v4;
	_ =	sdelay $0x1  }
0xf7: {  	v3 =	vadd.s32 v1, v3;
	_ =	sdelay $0x2  }
0xf8: {  	[tilespmem:s11], [sflag:$0x1] =	stream.indirect_vreg.gather [hbm4b:s4+s2], $0x80, v4, vm0, $0xb8;
	[tilespmem:$0x19200] =	vst v63  }
0xf9: {  	_ = 	snop  }
0xfa: {  	[tilespmem:s12], [sflag:$0x1] =	stream.indirect_vreg.gather [hbm4b:s4+s2], $0x80, v3, vm0, $0xb8;
	[tilespmem:$0x19200] =	vst v63  }
0xfb: {  	v3 =	vld [tilespmem:$0x150];
	_ =	sdelay $0x4  }
0xfc: {  	v56 =	vshll.u32 v3, $0x1  }
0xfd: {  	v3 =	vand.u32 $0x7, v3;
	v4 =	vand.u32 $0xFFFFFFF0, v56  }
0xfe: {  	v3 =	vor.u32 v3, v4  }
0xff: {  	v4 =	vperm.xlane v3, v0;
	_ =	sdelay $0x1  }
0x100: {  	v3 =	vperm.xlane v3, v2;
	v4 =	vadd.s32 v1, v4;
	_ =	sdelay $0x1  }
0x101: {  	v3 =	vadd.s32 v1, v3;
	_ =	sdelay $0x2  }
0x102: {  	[tilespmem:s13], [sflag:$0x1] =	stream.indirect_vreg.gather [hbm4b:s4+s2], $0x80, v4, vm0, $0xb8;
	[tilespmem:$0x19200] =	vst v63  }
0x103: {  	_ = 	snop  }
0x104: {  	[tilespmem:s14], [sflag:$0x1] =	stream.indirect_vreg.gather [hbm4b:s4+s2], $0x80, v3, vm0, $0xb8;
	[tilespmem:$0x19200] =	vst v63  }
0x105: {  	v3 =	vld [tilespmem:$0x160];
	_ =	sdelay $0x4  }
0x106: {  	v57 =	vshll.u32 v3, $0x1  }
0x107: {  	v3 =	vand.u32 $0x7, v3;
	v4 =	vand.u32 $0xFFFFFFF0, v57  }
0x108: {  	v3 =	vor.u32 v3, v4  }
0x109: {  	v4 =	vperm.xlane v3, v0;
	_ =	sdelay $0x1  }
0x10a: {  	v3 =	vperm.xlane v3, v2;
	v4 =	vadd.s32 v1, v4;
	_ =	sdelay $0x1  }
0x10b: {  	v3 =	vadd.s32 v1, v3;
	_ =	sdelay $0x2  }
0x10c: {  	[tilespmem:s15], [sflag:$0x1] =	stream.indirect_vreg.gather [hbm4b:s4+s2], $0x80, v4, vm0, $0xb8;
	[tilespmem:$0x19200] =	vst v63  }
0x10d: {  	_ = 	snop  }
0x10e: {  	[tilespmem:s16], [sflag:$0x1] =	stream.indirect_vreg.gather [hbm4b:s4+s2], $0x80, v3, vm0, $0xb8;
	[tilespmem:$0x19200] =	vst v63  }
0x10f: {  	v3 =	vld [tilespmem:$0x170];
	_ =	sdelay $0x4  }
0x110: {  	v58 =	vshll.u32 v3, $0x1  }
0x111: {  	v3 =	vand.u32 $0x7, v3;
	v4 =	vand.u32 $0xFFFFFFF0, v58  }
0x112: {  	v3 =	vor.u32 v3, v4  }
0x113: {  	v4 =	vperm.xlane v3, v0;
	_ =	sdelay $0x1  }
0x114: {  	v3 =	vperm.xlane v3, v2;
	v4 =	vadd.s32 v1, v4;
	_ =	sdelay $0x1  }
0x115: {  	v3 =	vadd.s32 v1, v3;
	_ =	sdelay $0x2  }
0x116: {  	[tilespmem:s17], [sflag:$0x1] =	stream.indirect_vreg.gather [hbm4b:s4+s2], $0x80, v4, vm0, $0xb8;
	[tilespmem:$0x19200] =	vst v63  }
0x117: {  	_ = 	snop  }
0x118: {  	[tilespmem:s18], [sflag:$0x1] =	stream.indirect_vreg.gather [hbm4b:s4+s2], $0x80, v3, vm0, $0xb8;
	[tilespmem:$0x19200] =	vst v63  }
0x119: {  	v3 =	vld [tilespmem:$0x180];
	_ =	sdelay $0x4  }
0x11a: {  	v59 =	vshll.u32 v3, $0x1  }
0x11b: {  	v3 =	vand.u32 $0x7, v3;
	v4 =	vand.u32 $0xFFFFFFF0, v59  }
0x11c: {  	v3 =	vor.u32 v3, v4  }
0x11d: {  	v4 =	vperm.xlane v3, v0;
	_ =	sdelay $0x1  }
0x11e: {  	v3 =	vperm.xlane v3, v2;
	v4 =	vadd.s32 v1, v4;
	_ =	sdelay $0x1  }
0x11f: {  	v3 =	vadd.s32 v1, v3;
	_ =	sdelay $0x2  }
0x120: {  	[tilespmem:s19], [sflag:$0x1] =	stream.indirect_vreg.gather [hbm4b:s4+s2], $0x80, v4, vm0, $0xb8;
	[tilespmem:$0x19200] =	vst v63  }
0x121: {  	_ = 	snop  }
0x122: {  	[tilespmem:s20], [sflag:$0x1] =	stream.indirect_vreg.gather [hbm4b:s4+s2], $0x80, v3, vm0, $0xb8;
	[tilespmem:$0x19200] =	vst v63  }
0x123: {  	v3 =	vld [tilespmem:$0x190];
	_ =	sdelay $0x4  }
0x124: {  	v60 =	vshll.u32 v3, $0x1  }
0x125: {  	v3 =	vand.u32 $0x7, v3;
	v4 =	vand.u32 $0xFFFFFFF0, v60  }
0x126: {  	v3 =	vor.u32 v3, v4  }
0x127: {  	v4 =	vperm.xlane v3, v0;
	_ =	sdelay $0x1  }
0x128: {  	v3 =	vperm.xlane v3, v2;
	v4 =	vadd.s32 v1, v4;
	_ =	sdelay $0x1  }
0x129: {  	v3 =	vadd.s32 v1, v3;
	_ =	sdelay $0x2  }
0x12a: {  	[tilespmem:s21], [sflag:$0x1] =	stream.indirect_vreg.gather [hbm4b:s4+s2], $0x80, v4, vm0, $0xb8;
	[tilespmem:$0x19200] =	vst v63  }
0x12b: {  	_ = 	snop  }
0x12c: {  	[tilespmem:s22], [sflag:$0x1] =	stream.indirect_vreg.gather [hbm4b:s4+s2], $0x80, v3, vm0, $0xb8;
	[tilespmem:$0x19200] =	vst v63  }
0x12d: {  	v3 =	vld [tilespmem:$0x1A0];
	_ =	sdelay $0x4  }
0x12e: {  	v61 =	vshll.u32 v3, $0x1  }
0x12f: {  	v3 =	vand.u32 $0x7, v3;
	v4 =	vand.u32 $0xFFFFFFF0, v61  }
0x130: {  	v3 =	vor.u32 v3, v4  }
0x131: {  	v4 =	vperm.xlane v3, v0;
	_ =	sdelay $0x1  }
0x132: {  	v3 =	vperm.xlane v3, v2;
	v4 =	vadd.s32 v1, v4;
	_ =	sdelay $0x1  }
0x133: {  	v3 =	vadd.s32 v1, v3;
	_ =	sdelay $0x2  }
0x134: {  	[tilespmem:s23], [sflag:$0x1] =	stream.indirect_vreg.gather [hbm4b:s4+s2], $0x80, v4, vm0, $0xb8;
	[tilespmem:$0x19200] =	vst v63  }
0x135: {  	_ = 	snop  }
0x136: {  	[tilespmem:s24], [sflag:$0x1] =	stream.indirect_vreg.gather [hbm4b:s4+s2], $0x80, v3, vm0, $0xb8;
	[tilespmem:$0x19200] =	vst v63  }
0x137: {  	v3 =	vld [tilespmem:$0x1B0];
	_ =	sdelay $0x4  }
0x138: {  	v62 =	vshll.u32 v3, $0x1  }
0x139: {  	v3 =	vand.u32 $0x7, v3;
	v4 =	vand.u32 $0xFFFFFFF0, v62  }
0x13a: {  	v3 =	vor.u32 v3, v4  }
0x13b: {  	v4 =	vperm.xlane v3, v0;
	_ =	sdelay $0x1  }
0x13c: {  	v3 =	vperm.xlane v3, v2;
	v4 =	vadd.s32 v1, v4;
	_ =	sdelay $0x1  }
0x13d: {  	v3 =	vadd.s32 v1, v3;
	_ =	sdelay $0x2  }
0x13e: {  	[tilespmem:s25], [sflag:$0x1] =	stream.indirect_vreg.gather [hbm4b:s4+s2], $0x80, v4, vm0, $0xb8;
	[tilespmem:$0x19200] =	vst v63  }
0x13f: {  	_ = 	snop  }
0x140: {  	[tilespmem:s26], [sflag:$0x1] =	stream.indirect_vreg.gather [hbm4b:s4+s2], $0x80, v3, vm0, $0xb8;
	[tilespmem:$0x19200] =	vst v63  }
0x141: {  	v3 =	vld.msk [tilespmem:$0x1C0], $0xff;
	_ =	sdelay $0x4  }
0x142: {  	v63 =	vshll.u32 v3, $0x1  }
0x143: {  	v3 =	vand.u32 $0x7, v3;
	v4 =	vand.u32 $0xFFFFFFF0, v63  }
0x144: {  	v3 =	vor.u32 v3, v4  }
0x145: {  	v3 =	vperm.xlane v3, v0;
	_ =	sdelay $0x1  }
0x146: {  	v3 =	vadd.s32 v1, v3;
	_ =	sdelay $0x4  }
0x147: {  	[tilespmem:s28], [sflag:$0x1] =	stream.indirect_vreg.gather [hbm4b:s4+s2], $0x80, v3, vm0, $0xb8;
	[tilespmem:$0x19200] =	vst v63  }
0x148: {  	_ =	swait.ge [sflag:s8], $0xC800  }
0x149: {  	[sflag:s8] =	ssyncset.done $0x0  }
0x14a: {  	[sflag:s8] =	ssyncadd.s32 $0xFFFF3800  }
0x14b: {  	[hbm4b:s31+s2] =	stream.linear.scatter [tilespmem:s9], [sflag:$0x1], $0xC800, $0x38;
	[tilespmem:$0x19200] =	vst v63  }
0x14c: {  	_ =	swait.ge [sflag:s8], $0xC800  }
0x14d: {  	p0 =	sne.s32 s1, $0x258;
	[sflag:s8] =	ssyncset.done $0x0  }
.Ltmp0:
0x14e: {  	[sflag:s8] =	ssyncadd.s32 $0xFFFF3800;
	(pc) =	sbr.rel @p0 .LBB2_2-.Ltmp0, $4  }
0x14f: {  	[hbm4b:s30+s2] =	stream.linear.scatter [tilespmem:s10], [sflag:$0x1], $0xC800, $0x38;
	[tilespmem:$0x19200] =	vst v63  }
0x150: {  	_ =	swait.ge [sflag:s8], $0xC800  }
0x151: {  	s1 =	sadd.s32 $0x19, s1;
	[sflag:s8] =	ssyncset.done $0x0  }
0x152: {  	s31 =	sadd.s32 $0x1900, s31;
	s30 =	sadd.s32 $0x1900, s30;
	[sflag:s8] =	ssyncadd.s32 $0xFFFF3800  }
0x153: {  	s0 =	sld [smem:$0x7F9];
	_ =	sdelay $0x1  }
0x154: {  	s29 =	sadd.s32 $0x1, s29  }
0x155: {  	p0 =	sne.s32 s29, s0  }
.Ltmp1:
0x156: {  	_ = 	snop;
	(pc) =	sbr.rel @p0 .LBB2_1-.Ltmp1, $1  }
0x157: {  	_ =	sdelay $0x3  }
0x158: {  	_ =	sfence.sel $0x180000  }
0x159: {  	[bflag:$0x0] =	sbarrier.arrive $0xFFFF  }
0x15a: {  	_ =	strace $0x9000004D  }
0x15b: {  	s0 =	stileid.u32;
	[bflag:$0x2] =	sbarrier.arrive $0xFFFF  }
0x15c: {  	p0 =	sne.s32 s0, $0x0;
	s0 =	rddreg [dreg:$0x1]  }
0x15d: {  	s0 =	sadd.s32 @!p0 $0x100000, s0  }
0x15e: {  	[sflag:s0] =	ssyncadd.tile.s32 @!p0 $0x1;
	_ =	shalt  }
.Lfunc_end2:
_tile_overlayer_lowered:
.L_overlay_start_2:
0x15f: {  	(tag) =	ssettag $0x2  }
0x160: {  	s0 =	rddreg [dreg:$0x0];
	s2 =	stileid.u32  }
0x161: {  	s1 =	rddreg [dreg:$0x1];
	p0 =	sne.s32 s2, $0x0  }
0x162: {  	s3 =	rddreg [dreg:$0x2];
	[bflag:$0x3] =	sbarrier.arrive $0xFFFF;
	s2 =	simm.s32 @!p0 $0x1C01  }
0x163: {  	[timem:s3], [sflag:s2] =	dma.local @!p0 [hbm:s0], s1  }
0x164: {  	s0 =	simm.s32 @!p0 $0x1  }
0x165: {  	_ =	swait.ge @!p0 [sflag:s0], s1  }
0x166: {  	s1 =	ssub.s32 @!p0 $0x0, s1;
	[sflag:s0] =	ssyncset.done @!p0 $0x0  }
0x167: {  	[sflag:s0] =	ssyncadd.s32 @!p0 s1  }
0x168: {  	[bflag:$0x3] =	sbarrier.arrive $0xFFFF  }
0x169: {  	_ =	shalt  }

// kernel: kernel.9.cloned.1.call-start
scs
__scs_entry_jumppad:
0x0: {  	(pc) =	sbr.rel $0x88, $3  }
0x1: {  	(tag) =	ssettag $0x0;
	lr =	simm.s32 $0x1  }
0x2: {  	[smem:$0x3F91] =	sst lr;
	_ =	strace $0xD0000000  }
0x3: {  	_ = 	snop  }
0x4: {  	_ = 	snop  }
0x5: {  	_ = 	snop  }
0x6: {  	_ = 	snop  }
0x7: {  	_ = 	snop  }
__scs_overlays_trampoline_lowered:
0x8: {  	[smem:$0x3FA0] =	sst s0  }
0x9: {  	[smem:$0x3FA1] =	sst s1  }
0xa: {  	[smem:$0x3FA2] =	sst s2  }
0xb: {  	[smem:$0x3FA3] =	sst s3  }
0xc: {  	[smem:$0x3FA4] =	sst s4  }
0xd: {  	[smem:$0x3FA5] =	sst s5  }
0xe: {  	[smem:$0x3FA6] =	sst s6  }
0xf: {  	[smem:$0x3FA7] =	sst s7  }
0x10: {  	[smem:$0x3FA8] =	sst s8  }
0x11: {  	[smem:$0x3FA9] =	sst s9;
	s0 =	simm.s32 @!p0 $0x0  }
0x12: {  	s1 =	sld [smem:$0x3F8F];
	s0 =	simm.s32 @p0 $0x1  }
0x13: {  	[smem:$0x3FAA] =	sst s0;
	s0 =	simm.s32 @!p1 $0x0  }
0x14: {  	s2 =	sld [smem:$0x3F8E];
	s0 =	simm.s32 @p1 $0x1  }
0x15: {  	[smem:$0x3FAB] =	sst s0;
	s0 =	simm.s32 @!p2 $0x0  }
0x16: {  	s3 =	sld [smem:$0x3FDB];
	s0 =	simm.s32 @p2 $0x1  }
0x17: {  	s4 =	simm.s32 $0x1BF5;
	[smem:$0x3FAD] =	sst s0  }
0x18: {  	s0 =	sld [smem:$0x3F90];
	_ =	swait.ge [sflag:s4], $0x0  }
0x19: {  	s7 =	sld [smem:$0x3F91]  }
0x1a: {  	s8 =	sadd.s32 $0xFFFFE003, lr  }
0x1b: {  	s9 =	sadd.s32 $0xFFFFFEF7, lr;
	s5 =	simm.s32 $0xFFFFFFFF;
	p2 =	slt.u32 s8, $0xFFFFF086  }
0x1c: {  	p1 =	slt.u32 s9, $0xF7A;
	s5 =	simm.s32 @!p2 $0x0  }
0x1d: {  	s5 =	simm.s32 @p1 $0x1;
	p0 =	seq.s32 s7, s2  }
0x1e: {  	s7 =	smul.u32 @!p0 $0xF7A, s2;
	p2 =	seq.s32 @!p0 s5, $0x0  }
0x1f: {  	s9 =	smul.u32 $0xF7A, s1;
	s8 =	simm.s32 @!p0 $0x1BF5;
	p2 =	por !p2, p0  }
0x20: {  	[sflag:s8] =	ssyncset.s32 @!p0 $0xFFFFF086;
	s6 =	sadd.s32 @!p0 s3, s7;
	s7 =	simm.s32 @!p0 $0x108  }
0x21: {  	s3 =	sadd.s32 s3, s9;
	s6 =	sadd.s32 @!p0 $0x88, s6;
	s7 =	simm.s32 @p2 $0x1082  }
0x22: {  	[simem:s7], [sflag:s8] =	dma.local @!p0 [hbm:s6], $0xF7A  }
0x23: {  	s9 =	sor.u32 $0xD0000000, s2;
	s6 =	simm.s32 $0x108;
	_ =	swait.ge @!p0 [sflag:s8], $0x0  }
0x24: {  	s3 =	sadd.s32 $0x88, s3;
	s6 =	simm.s32 @!p1 $0x1082;
	[sflag:s4] =	ssyncset.s32 $0xFFFFF086  }
0x25: {  	[simem:s6], [sflag:s4] =	dma.local [hbm:s3], $0xF7A  }
0x26: {  	[smem:$0x3F91] =	sst s1;
	(tag) =	ssettag s2;
	_ =	strace s9  }
0x27: {  	s1 =	sld [smem:$0x3FA1]  }
0x28: {  	s2 =	sld [smem:$0x3FA2]  }
0x29: {  	s4 =	sld [smem:$0x3FA4]  }
0x2a: {  	p0 =	seq.s32 s5, $0x0;
	s5 =	sld [smem:$0x3FA5]  }
0x2b: {  	s6 =	sld [smem:$0x3FA6]  }
0x2c: {  	s7 =	sld [smem:$0x3FA7]  }
0x2d: {  	s3 =	simm.s32 $0x108;
	s8 =	sld [smem:$0x3FA8]  }
0x2e: {  	s3 =	simm.s32 @!p0 $0x1082;
	s9 =	sld [smem:$0x3FA9]  }
0x2f: {  	lr =	sadd.s32 s0, s3;
	s0 =	sld [smem:$0x3FA0]  }
0x30: {  	s3 =	sld [smem:$0x3FA3]  }
0x31: {  	[smem:$0x3FAC] =	sst s10  }
0x32: {  	s10 =	sld [smem:$0x3FAA];
	_ =	sdelay $0x3  }
0x33: {  	p0 =	seq.s32 s10, $0x1;
	s10 =	sld [smem:$0x3FAC];
	_ =	sdelay $0x3  }
0x34: {  	[smem:$0x3FAC] =	sst s10  }
0x35: {  	s10 =	sld [smem:$0x3FAB];
	_ =	sdelay $0x3  }
0x36: {  	p1 =	seq.s32 s10, $0x1;
	s10 =	sld [smem:$0x3FAC];
	_ =	sdelay $0x3  }
0x37: {  	[smem:$0x3FAC] =	sst s10  }
0x38: {  	s10 =	sld [smem:$0x3FAD]  }
0x39: {  	_ = 	snop;
	(pc) =	sbr.ind lr, $3  }
0x3a: {  	_ = 	snop  }
0x3b: {  	_ = 	snop  }
0x3c: {  	p2 =	seq.s32 s10, $0x1;
	s10 =	sld [smem:$0x3FAC]  }
0x3d: {  	_ =	shalt  }
0x3e: {  	_ =	shalt  }
0x3f: {  	_ =	shalt  }
0x40: {  	_ =	shalt  }
0x41: {  	_ =	shalt  }
0x42: {  	_ =	shalt  }
0x43: {  	_ =	shalt  }
0x44: {  	_ =	shalt  }
0x45: {  	_ =	shalt  }
0x46: {  	_ =	shalt  }
0x47: {  	_ =	shalt  }
0x48: {  	_ =	shalt  }
0x49: {  	_ =	shalt  }
0x4a: {  	_ =	shalt  }
0x4b: {  	_ =	shalt  }
0x4c: {  	_ =	shalt  }
0x4d: {  	_ =	shalt  }
0x4e: {  	_ =	shalt  }
0x4f: {  	_ =	shalt  }
0x50: {  	_ =	shalt  }
0x51: {  	_ =	shalt  }
0x52: {  	_ =	shalt  }
0x53: {  	_ =	shalt  }
0x54: {  	_ =	shalt  }
0x55: {  	_ =	shalt  }
0x56: {  	_ =	shalt  }
0x57: {  	_ =	shalt  }
0x58: {  	_ =	shalt  }
0x59: {  	_ =	shalt  }
0x5a: {  	_ =	shalt  }
0x5b: {  	_ =	shalt  }
0x5c: {  	_ =	shalt  }
0x5d: {  	_ =	shalt  }
0x5e: {  	_ =	shalt  }
0x5f: {  	_ =	shalt  }
0x60: {  	_ =	shalt  }
0x61: {  	_ =	shalt  }
0x62: {  	_ =	shalt  }
0x63: {  	_ =	shalt  }
0x64: {  	_ =	shalt  }
0x65: {  	_ =	shalt  }
0x66: {  	_ =	shalt  }
0x67: {  	_ =	shalt  }
0x68: {  	_ =	shalt  }
0x69: {  	_ =	shalt  }
0x6a: {  	_ =	shalt  }
0x6b: {  	_ =	shalt  }
0x6c: {  	_ =	shalt  }
0x6d: {  	_ =	shalt  }
0x6e: {  	_ =	shalt  }
0x6f: {  	_ =	shalt  }
0x70: {  	_ =	shalt  }
0x71: {  	_ =	shalt  }
0x72: {  	_ =	shalt  }
0x73: {  	_ =	shalt  }
0x74: {  	_ =	shalt  }
0x75: {  	_ =	shalt  }
0x76: {  	_ =	shalt  }
0x77: {  	_ =	shalt  }
0x78: {  	_ =	shalt  }
0x79: {  	_ =	shalt  }
0x7a: {  	_ =	shalt  }
0x7b: {  	_ =	shalt  }
0x7c: {  	_ =	shalt  }
0x7d: {  	_ =	shalt  }
0x7e: {  	_ =	shalt  }
0x7f: {  	_ =	shalt  }
0x80: {  	_ =	shalt  }
0x81: {  	_ =	shalt  }
0x82: {  	_ =	shalt  }
0x83: {  	_ =	shalt  }
0x84: {  	_ =	shalt  }
0x85: {  	_ =	shalt  }
0x86: {  	_ =	shalt  }
0x87: {  	_ =	shalt  }
.Lfunc_end0:
.L_simem_size_0:
called_computation_lowered:
.L_overlay_start_0:
0x88: {  	s2 =	sld [smem:$0x3FD9]  }
0x89: {  	s3 =	sld [smem:$0x3FFE];
	_ =	sdelay $0x1  }
0x8a: {  	s1 =	srdreg.scid  }
0x8b: {  	s0 =	sand.u32 $0x1, s1  }
0x8c: {  	s17 =	sshll.u32 s0, $0xA;
	s2 =	sadd.s32 s3, s2  }
0x8d: {  	s2 =	sadd.s32 s2, s17  }
0x8e: {  	[smem:$0x3FB8] =	sst s2  }
0x8f: {  	_ = 	snop  }
0x90: {  	s2 =	sld [smem:$0x3FD0];
	(tm) =	ssettm $0x1  }
0x91: {  	s18 =	sld [smem:$0x3FFB];
	_ =	sdelay $0x3  }
0x92: {  	_ =	strace s18  }
0x93: {  	s3 =	sld [smem:$0x3FFC];
	_ =	sdelay $0x3  }
0x94: {  	_ =	strace s3  }
0x95: {  	s3 =	sld [smem:$0x3FFD];
	_ =	sdelay $0x3  }
0x96: {  	_ =	strace s3  }
0x97: {  	_ =	strace $0x8FFFFFFF  }
0x98: {  	s19 =	sld [smem:$0x3FDB];
	_ =	sdelay $0x1  }
0x99: {  	s4 =	simm.s32 $_scs_section_size  }
0x9a: {  	s5 =	simm.s32 $_size__tile_overlayer_lowered;
	s6 =	simm.s32 $_tile_overlayer_lowered  }
0x9b: {  	s22 =	simm.s32 $0x1BFF;
	s21 =	sshll.u32 s6, $0x1;
	s3 =	sadd.s32 s4, s19  }
0x9c: {  	s7 =	simm.s32 $0x0;
	s20 =	sshll.u32 s5, $0x1;
	s5 =	sadd.s32 s21, s3  }
0x9d: {  	[timem:s7], [sflag:s22] =	dma.local [hbm:s5], s20  }
0x9e: {  	_ =	swait.ge [sflag:s22], s20  }
0x9f: {  	s4 =	ssub.s32 $0x0, s20;
	[sflag:s22] =	ssyncset.done $0x0  }
0xa0: {  	[sflag:s22] =	ssyncadd.s32 s4;
	_ =	sdelay $0x1  }
0xa1: {  	s23 =	simm.s32 $0x1B8B  }
0xa2: {  	_ =	swait.ge [sflag:s23], $0x1  }
0xa3: {  	[sflag:s23] =	ssyncset.done $0x0  }
0xa4: {  	s25 =	simm.s32 $0x1B8E;
	s24 =	sld [smem:$0x3FFE];
	[sflag:s23] =	ssyncadd.s32 $0xFFFFFFFF  }
0xa5: {  	s26 =	simm.s32 $execute0_lowered;
	[smem:$0x3FD2] =	sst s25  }
0xa6: {  	s5 =	sshll.u32 s26, $0x1;
	_ =	strace $0x80000046;
	[dreg:$0x1] =	wrdreg $0xFFFFFFFF  }
0xa7: {  	s28 =	simm.s32 $_size_execute0_lowered;
	s3 =	sadd.s32 s3, s5;
	[dreg:$0x0] =	wrdreg $0x0  }
0xa8: {  	s5 =	sshll.u32 s28, $0x1;
	[dreg:$0x2] =	wrdreg s3  }
0xa9: {  	[dreg:$0x3] =	wrdreg s5  }
0xaa: {  	[dreg:$0x4] =	wrdreg $0xC0  }
0xab: {  	_ =	task [dreg:s7], $0x5FFFF  }
0xac: {  	[dreg:$0x1] =	wrdreg $0xFFFFFFFF  }
0xad: {  	[dreg:$0x0] =	wrdreg $0x60  }
0xae: {  	[dreg:$0x2] =	wrdreg s24  }
0xaf: {  	[dreg:$0x3] =	wrdreg s2  }
0xb0: {  	[dreg:$0x4] =	wrdreg $0x0  }
0xb1: {  	[dreg:$0x5] =	wrdreg $0x138800  }
0xb2: {  	[dreg:$0x6] =	wrdreg $0x9  }
0xb3: {  	_ =	task.clear_ibuf [dreg:s7], $0x7FFFF;
	_ =	strace $0x90000046  }
0xb4: {  	s29 =	simm.s32 $0x9;
	_ =	strace $0x80000048  }
0xb5: {  	_ =	swait.ge [sflag:s29], $0x1  }
0xb6: {  	[sflag:s29] =	ssyncadd.s32 $0xFFFFFFFF  }
0xb7: {  	_ =	strace $0x90000048  }
0xb8: {  	_ =	sfence  }
0xb9: {  	s30 =	sld [smem:$0x0];
	_ =	sdelay $0x2  }
0xba: {  	s31 =	sshll.u32 s1, $0xD;
	s1 =	sshrl.u32 s1, $0x2  }
0xbb: {  	s3 =	sand.u32 $0x4000, s31;
	s1 =	sadd.s32 s1, s30  }
0xbc: {  	s0 =	sor.u32 s3, s0;
	s1 =	sshll.u32 s1, $0x11  }
0xbd: {  	s0 =	sor.u32 s1, s0  }
0xbe: {  	s0 =	sadd.s32 $0x8F2B, s0  }
0xbf: {  	[sflag:s0] =	ssyncadd.remote.s32 $0x1  }
0xc0: {  	_ =	sfence.sel $0xFFFF  }
0xc1: {  	[dreg:$0x0] =	wrdreg $0xFFFFFFFF;
	(pc) =	sbr.abs _section_cstart, $3  }
0xc2: {  	[dreg:$0x1] =	wrdreg $0xFFFFFFFF  }
0xc3: {  	_ =	task.clear_ibuf [dreg:s7], $0x2FFFF;
	_ =	strace $0x9FFFFFFF  }
0xc4: {  	(tm) =	ssettm $0x7FFFFFFF  }
0xc5: {  	_ =	shalt  }
tec
execute0_lowered:
.L_overlay_start_1:
0x0: {  	(tag) =	ssettag $0x1  }
0x1: {  	s7 =	rddreg [dreg:$0x0]  }
0x2: {  	s2 =	rddreg [dreg:$0x1]  }
0x3: {  	s3 =	rddreg [dreg:$0x2]  }
0x4: {  	s4 =	rddreg [dreg:$0x3]  }
0x5: {  	s1 =	stileid.u32;
	s6 =	srdreg.scid;
	s5 =	simm.s32 $0x0  }
0x6: {  	s19 =	simm.s32 $0x2;
	s20 =	simm.s32 $0x16120;
	s8 =	smul.u32 $0x4E2, s1  }
0x7: {  	s21 =	simm.s32 $0xC8;
	s23 =	simm.s32 $0x161E8;
	s9 =	smul.u32 $0x13880, s1  }
0x8: {  	s24 =	simm.s32 $0x0;
	s15 =	sand.u32 $0x1, s6;
	s10 =	smul.u32 $0x271, s1  }
0x9: {  	[smem:$0x7FF] =	sst s5;
	s6 =	sadd.s32 $0xD600, s7;
	s11 =	smul.u32 $0x2710, s1  }
0xa: {  	s31 =	sshll.u32 s1, $0x6;
	s22 =	smul.u32 $0x2710, s15;
	_ =	strace $0x80000047  }
0xb: {  	s12 =	ssub.s32 $0x2, s15;
	p0 =	sne.s32 s15, $0x0;
	s14 =	sadd.s32 s8, s7  }
0xc: {  	s30 =	sshrl.u32 s9, $0x3;
	s13 =	sshrl.u32 s11, $0x3;
	s16 =	sshrl.u32 s12, $0x1  }
0xd: {  	s17 =	sadd.s32 s9, s3;
	s18 =	sadd.s32 s11, s4;
	s10 =	sadd.s32 s10, s22  }
0xe: {  	s8 =	sadd.s32 s30, s7;
	s13 =	sadd.s32 s13, s7;
	s12 =	ssub.s32 s12, s16  }
0xf: {  	s15 =	sshrl.u32 s17, $0x3;
	s16 =	simm.s32 $0x1;
	s17 =	sshrl.u32 @!p0 s18, $0x3  }
0x10: {  	s18 =	simm.s32 $0x15F90;
	v0 =	vmov s22;
	s22 =	simm.s32 $0x16058;
	s10 =	sshll.u32 s10, $0x4  }
0x11: {  	s9 =	sadd.s32 $0xA9A00, s13;
	s11 =	sadd.s32 $0xFCC00, s13;
	s12 =	smax.u32 s12, $0x1  }
0x12: {  	s13 =	sadd.s32 $0x3600, s14;
	s14 =	sadd.s32 $0x8600, s14;
	s10 =	sadd.s32 s10, s7  }
0x13: {  	s7 =	sadd.s32 $0xAEA00, s8;
	s8 =	sor.u32 $0x1C01, s31;
	s10 =	sadd.s32 $0x101C00, s10  }
.LBB2_1:
0x14: {  	[spmem:s15], [sflag:s8] =	dma.local [hbm:s7], $0x2710  }
0x15: {  	_ =	swait.ge [sflag:s16], $0x2710  }
0x16: {  	[sflag:s16] =	ssyncset.done $0x0  }
0x17: {  	s25 =	simm.s32 @!p0 $0x1;
	[sflag:s16] =	ssyncadd.s32 $0xFFFFD8F0  }
0x18: {  	[spmem:s17], [sflag:s8] =	dma.local @!p0 [hbm:s9], $0x4E2  }
0x19: {  	_ =	swait.ge @!p0 [sflag:s25], $0x4E2  }
0x1a: {  	[sflag:s25] =	ssyncset.done @!p0 $0x0  }
0x1b: {  	s28 =	simm.s32 @!p0 $0x0;
	s26 =	simm.s32 @!p0 $0x1C5E8;
	[sflag:s25] =	ssyncadd.s32 @!p0 $0xFFFFFB1E  }
0x1c: {  	[tilespmem:s26], [sflag:$0x1] =	stream.linear.gather @!p0 [hbm4b:s2+s28], $0xC80, $0x38;
	[tilespmem:$0x1D268] =	vst v63  }
0x1d: {  	_ =	swait.ge @!p0 [sflag:s25], $0xC80  }
0x1e: {  	[sflag:s25] =	ssyncset.done @!p0 $0x0  }
0x1f: {  	[sflag:s25] =	ssyncadd.s32 @!p0 $0xFFFFF380  }
0x20: {  	s28 =	sadd.s32 $0x0, s14;
	[bflag:$0x0] =	sbarrier.arrive $0xFFFF  }
0x21: {  	[tilespmem:s18], [sflag:$0x2] =	stream.linear.gather [hbm4b:s28+s5], $0xC8, $0x38;
	[tilespmem:$0x1D268] =	vst v63  }
0x22: {  	_ =	swait.ge [sflag:s19], $0xC8  }
0x23: {  	[sflag:s19] =	ssyncset.done $0x0  }
0x24: {  	s28 =	sadd.s32 $0x0, s13;
	[sflag:s19] =	ssyncadd.s32 $0xFFFFFF38  }
0x25: {  	[tilespmem:s20], [sflag:$0x2] =	stream.linear.gather [hbm4b:s28+s5], $0xC8, $0x38;
	[tilespmem:$0x1D268] =	vst v63  }
0x26: {  	_ =	swait.ge [sflag:s19], $0xC8  }
0x27: {  	[sflag:s19] =	ssyncset.done $0x0  }
0x28: {  	[sflag:s19] =	ssyncadd.s32 $0xFFFFFF38  }
0x29: {  	v1 =	vld [tilespmem:$0x15FF0]  }
0x2a: {  	s28 =	simm.s32 $0x19;
	v2 =	vld [tilespmem:$0x15F90]  }
.LBB2_2:
0x2b: {  	v3 =	vld [tilespmem:$0x15FC0];
	s29 =	smov.u32 s28;
	s28 =	sadd.s32 $0x19, s28  }
0x2c: {  	p1 =	sne.s32 s28, $0x4E2;
	v4 =	vld [tilespmem:$0x16000]  }
0x2d: {  	v5 =	vld [tilespmem:$0x16010]  }
0x2e: {  	v6 =	vld [tilespmem:$0x15FA0]  }
0x2f: {  	v2 =	vadd.s32 v0, v2;
	v7 =	vld [tilespmem:$0x16040]  }
0x30: {  	v1 =	vadd.s32 v0, v1;
	[tilespmem:$0x16058] =	vst v2;
	v2 =	vld [tilespmem:$0x15FB0];
	v3 =	vadd.s32 v0, v3  }
0x31: {  	[tilespmem:$0x16088] =	vst v3;
	v3 =	vadd.s32 v0, v4;
	v4 =	vld [tilespmem:$0x16048]  }
0x32: {  	v8 =	vld [tilespmem:$0x15FD0];
	[tilespmem:$0x160C8] =	vst v3;
	v3 =	vadd.s32 v0, v5  }
0x33: {  	v5 =	vadd.s32 v0, v6;
	[tilespmem:$0x160D8] =	vst v3;
	v3 =	vld [tilespmem:$0x16020]  }
0x34: {  	v6 =	vld [tilespmem:$0x15FE0];
	[tilespmem:$0x160B8] =	vst v1;
	v1 =	vadd.s32 v0, v7  }
0x35: {  	v2 =	vadd.s32 v0, v2;
	v7 =	vld [tilespmem:$0x16030];
	[tilespmem:$0x16108] =	vst v1  }
0x36: {  	[tilespmem:$0x16078] =	vst v2  }
0x37: {  	v2 =	vadd.s32 v0, v4;
	[tilespmem:$0x16068] =	vst v5;
	v1 =	vadd.s32 v0, v8  }
0x38: {  	v3 =	vadd.s32 v0, v3;
	[tilespmem:$0x16110] =	vst v2  }
0x39: {  	v2 =	vadd.s32 v0, v6;
	[tilespmem:$0x160E8] =	vst v3  }
0x3a: {  	[tilespmem:$0x160A8] =	vst v2;
	v2 =	vadd.s32 v0, v7  }
0x3b: {  	[tilespmem:$0x160F8] =	vst v2  }
0x3c: {  	[tilespmem:$0x16098] =	vst v1  }
0x3d: {  	[tilespmem:s23], [sflag:$0x2] =	stream.indirect.gather [hbm4b:s6+s21], $0x80, s22, s21, $0xb8;
	[tilespmem:$0x1D268] =	vst v63  }
0x3e: {  	_ =	swait.ge [sflag:s19], $0x6400  }
0x3f: {  	[sflag:s19] =	ssyncset.done $0x0  }
0x40: {  	[sflag:s19] =	ssyncadd.s32 $0xFFFF9C00  }
0x41: {  	[spmem:s3] =	stream.indirect.scatter.add.f32 [tilespmem:s23], [sflag:$0x2], $0x80, s20, s21, $0xb8;
	[tilespmem:$0x1D268] =	vst v63  }
0x42: {  	_ =	swait.ge [sflag:s19], $0x6400  }
0x43: {  	[sflag:s19] =	ssyncset.done $0x0  }
0x44: {  	s30 =	simm.s32 @!p0 $0xC8;
	s31 =	simm.s32 @!p0 $0x16120;
	[sflag:s19] =	ssyncadd.s32 $0xFFFF9C00  }
0x45: {  	[spmem:s4] =	stream.indirect.scatter.add.f32 @!p0 [tilespmem:s26], [sflag:$0x1], $0x10, s31, s30, $0xb8;
	[tilespmem:$0x1D268] =	vst v63  }
0x46: {  	_ =	swait.ge @!p0 [sflag:s25], $0xC80  }
0x47: {  	[sflag:s25] =	ssyncset.done @!p0 $0x0  }
0x48: {  	s0 =	sadd.s32 s29, s14;
	[sflag:s25] =	ssyncadd.s32 @!p0 $0xFFFFF380  }
0x49: {  	[tilespmem:s18], [sflag:$0x2] =	stream.linear.gather [hbm4b:s0+s5], $0xC8, $0x38;
	[tilespmem:$0x1D268] =	vst v63  }
0x4a: {  	_ =	swait.ge [sflag:s19], $0xC8  }
0x4b: {  	[sflag:s19] =	ssyncset.done $0x0  }
0x4c: {  	s0 =	sadd.s32 s29, s13;
	[sflag:s19] =	ssyncadd.s32 $0xFFFFFF38  }
0x4d: {  	[tilespmem:s20], [sflag:$0x2] =	stream.linear.gather [hbm4b:s0+s5], $0xC8, $0x38;
	[tilespmem:$0x1D268] =	vst v63  }
.Ltmp0:
0x4e: {  	_ =	swait.ge [sflag:s19], $0xC8;
	(pc) =	sbr.rel @p1 .LBB2_2-.Ltmp0, $4  }
0x4f: {  	[sflag:s19] =	ssyncset.done $0x0  }
0x50: {  	[sflag:s19] =	ssyncadd.s32 $0xFFFFFF38  }
0x51: {  	v1 =	vld [tilespmem:$0x15FF0]  }
0x52: {  	v2 =	vld [tilespmem:$0x15F90]  }
0x53: {  	v3 =	vld [tilespmem:$0x15FC0]  }
0x54: {  	v6 =	vld [tilespmem:$0x16040]  }
0x55: {  	v4 =	vld [tilespmem:$0x16000]  }
0x56: {  	v5 =	vld [tilespmem:$0x16010];
	v1 =	vadd.s32 v0, v1  }
0x57: {  	v7 =	vld [tilespmem:$0x15FA0];
	v2 =	vadd.s32 v0, v2;
	[tilespmem:$0x160B8] =	vst v1  }
0x58: {  	[tilespmem:$0x16058] =	vst v2;
	v2 =	vld [tilespmem:$0x15FB0];
	v3 =	vadd.s32 v0, v3  }
0x59: {  	v61 =	vld [tilespmem:$0x16048];
	v1 =	vadd.s32 v0, v6;
	[tilespmem:$0x16088] =	vst v3  }
0x5a: {  	v3 =	vadd.s32 v0, v4;
	[tilespmem:$0x16108] =	vst v1;
	v1 =	vld [tilespmem:$0x15FD0]  }
0x5b: {  	v62 =	vld [tilespmem:$0x15FE0];
	[tilespmem:$0x160C8] =	vst v3;
	v3 =	vadd.s32 v0, v5  }
0x5c: {  	v7 =	vadd.s32 v0, v7;
	[tilespmem:$0x160D8] =	vst v3;
	v3 =	vld [tilespmem:$0x16020]  }
0x5d: {  	v63 =	vld [tilespmem:$0x16030];
	[tilespmem:$0x16068] =	vst v7;
	v2 =	vadd.s32 v0, v2  }
0x5e: {  	[tilespmem:$0x16078] =	vst v2;
	v2 =	vadd.s32 v0, v61  }
0x5f: {  	v1 =	vadd.s32 v0, v1;
	[tilespmem:$0x16110] =	vst v2  }
0x60: {  	v2 =	vadd.s32 v0, v62;
	[tilespmem:$0x16098] =	vst v1  }
0x61: {  	v3 =	vadd.s32 v0, v3;
	[tilespmem:$0x160A8] =	vst v2  }
0x62: {  	v2 =	vadd.s32 v0, v63;
	[tilespmem:$0x160E8] =	vst v3  }
0x63: {  	[tilespmem:$0x160F8] =	vst v2  }
0x64: {  	[tilespmem:s23], [sflag:$0x2] =	stream.indirect.gather [hbm4b:s6+s21], $0x80, s22, s21, $0xb8;
	[tilespmem:$0x1D268] =	vst v63  }
0x65: {  	_ =	swait.ge [sflag:s19], $0x6400  }
0x66: {  	[sflag:s19] =	ssyncset.done $0x0  }
0x67: {  	[sflag:s19] =	ssyncadd.s32 $0xFFFF9C00  }
0x68: {  	[spmem:s3] =	stream.indirect.scatter.add.f32 [tilespmem:s23], [sflag:$0x2], $0x80, s20, s21, $0xb8;
	[tilespmem:$0x1D268] =	vst v63  }
0x69: {  	_ =	swait.ge [sflag:s19], $0x6400  }
0x6a: {  	[sflag:s19] =	ssyncset.done $0x0  }
0x6b: {  	[sflag:s19] =	ssyncadd.s32 $0xFFFF9C00  }
0x6c: {  	[spmem:s4] =	stream.indirect.scatter.add.f32 @!p0 [tilespmem:s26], [sflag:$0x1], $0x10, s31, s30, $0xb8;
	[tilespmem:$0x1D268] =	vst v63  }
0x6d: {  	_ =	swait.ge @!p0 [sflag:s25], $0xC80  }
0x6e: {  	[sflag:s25] =	ssyncset.done @!p0 $0x0  }
0x6f: {  	[sflag:s25] =	ssyncadd.s32 @!p0 $0xFFFFF380  }
0x70: {  	[bflag:$0x0] =	sbarrier.arrive $0xFFFF  }
0x71: {  	[hbm:s10], [sflag:s8] =	dma.local [spmem:s15], $0x2710  }
0x72: {  	s24 =	sadd.s32 $0x1, s24;
	_ =	swait.ge [sflag:s16], $0x2710  }
0x73: {  	p1 =	sne.s32 s24, s12;
	[sflag:s16] =	ssyncset.done $0x0  }
.Ltmp1:
0x74: {  	s0 =	simm.s32 @!p0 $0x1;
	[sflag:s16] =	ssyncadd.s32 $0xFFFFD8F0;
	(pc) =	sbr.rel @p1 .LBB2_1-.Ltmp1, $4  }
0x75: {  	[hbm:s11], [sflag:s8] =	dma.local @!p0 [spmem:s17], $0x4E2  }
0x76: {  	_ =	swait.ge @!p0 [sflag:s0], $0x4E2  }
0x77: {  	[sflag:s0] =	ssyncset.done @!p0 $0x0  }
0x78: {  	[sflag:s0] =	ssyncadd.s32 @!p0 $0xFFFFFB1E  }
0x79: {  	_ =	sfence.sel $0x180000  }
0x7a: {  	[bflag:$0x0] =	sbarrier.arrive $0xFFFF  }
0x7b: {  	_ =	strace $0x90000047  }
0x7c: {  	[bflag:$0x2] =	sbarrier.arrive $0xFFFF  }
0x7d: {  	p0 =	sne.s32 s1, $0x0;
	s0 =	rddreg [dreg:$0x4]  }
0x7e: {  	s0 =	sadd.s32 @!p0 $0x100000, s0  }
0x7f: {  	[sflag:s0] =	ssyncadd.tile.s32 @!p0 $0x1;
	_ =	shalt  }
.Lfunc_end2:
_tile_overlayer_lowered:
.L_overlay_start_2:
0x80: {  	(tag) =	ssettag $0x2  }
0x81: {  	s0 =	rddreg [dreg:$0x0];
	s2 =	stileid.u32  }
0x82: {  	s1 =	rddreg [dreg:$0x1];
	p0 =	sne.s32 s2, $0x0  }
0x83: {  	s3 =	rddreg [dreg:$0x2];
	[bflag:$0x3] =	sbarrier.arrive $0xFFFF;
	s2 =	simm.s32 @!p0 $0x1C01  }
0x84: {  	[timem:s3], [sflag:s2] =	dma.local @!p0 [hbm:s0], s1  }
0x85: {  	s0 =	simm.s32 @!p0 $0x1  }
0x86: {  	_ =	swait.ge @!p0 [sflag:s0], s1  }
0x87: {  	s1 =	ssub.s32 @!p0 $0x0, s1;
	[sflag:s0] =	ssyncset.done @!p0 $0x0  }
0x88: {  	[sflag:s0] =	ssyncadd.s32 @!p0 s1  }
0x89: {  	[bflag:$0x3] =	sbarrier.arrive $0xFFFF  }
0x8a: {  	_ =	shalt  }

</sc_bundles>
